<compile_context>
chip_gen: v7x
topology: tpu7x:2x2x1
jax: 0.10.2.dev20260603
libtpu: 0.0.44.dev20260713+nightly
codegen_flags: <defaults>
</compile_context>

<pallas_src>
import functools

import jax
import jax.numpy as jnp
from jax import lax
from jax.experimental import pallas as pl
from jax.experimental.pallas import tpu as pltpu
from jax.experimental.pallas import tpu_sc as plsc

L = 16


@functools.cache
def _build(B, T, S, V):
  NC, NS = 2, 16
  NW = NC * NS
  rows = B * T
  assert rows % NW == 0
  rpw = rows // NW
  assert (T % rpw == 0) and (S % L == 0) and (V % L == 0) and rpw % 2 == 0
  ngrp = S // L

  mesh = plsc.VectorSubcoreMesh(core_axis_name="c", subcore_axis_name="s")

  @functools.partial(
      pl.kernel,
      out_type=jax.ShapeDtypeStruct((B, T, V), jnp.float32),
      mesh=mesh,
      scratch_types=[
          pltpu.VMEM((V,), jnp.float32),
          pltpu.VMEM((V,), jnp.float32),
          pltpu.VMEM((S,), jnp.float32),
          pltpu.VMEM((S,), jnp.float32),
          pltpu.VMEM((S,), jnp.int32),
          pltpu.SemaphoreType.DMA,
          pltpu.SemaphoreType.DMA,
          pltpu.SemaphoreType.DMA,
      ],
      compiler_params=pltpu.CompilerParams(
          needs_layout_passes=False,
          use_tc_tiling_on_sc=True,
      ),
  )
  def scatter_rows(p_hbm, ids_hbm, out_hbm,
                   buf0, buf1, prow0, prow1, ids_v, sem0, sem1, semp):
    wid = lax.axis_index("s") * NC + lax.axis_index("c")
    base = wid * rpw
    batch = base // T
    t0 = base % T

    pltpu.sync_copy(ids_hbm.at[batch], ids_v)
    cpp = pltpu.async_copy(p_hbm.at[batch, t0], prow0, semp)

    zero = jnp.zeros((L,), jnp.float32)

    def zero0(i, _):
      buf0[pl.ds(i * 4 * L, L)] = zero
      buf0[pl.ds((i * 4 + 1) * L, L)] = zero
      buf0[pl.ds((i * 4 + 2) * L, L)] = zero
      buf0[pl.ds((i * 4 + 3) * L, L)] = zero
      return 0

    def zero1(i, _):
      buf1[pl.ds(i * 4 * L, L)] = zero
      buf1[pl.ds((i * 4 + 1) * L, L)] = zero
      buf1[pl.ds((i * 4 + 2) * L, L)] = zero
      buf1[pl.ds((i * 4 + 3) * L, L)] = zero
      return 0

    lax.fori_loop(0, V // (4 * L), zero0, 0)

    ivs = [ids_v[pl.ds(g * L, L)] for g in range(ngrp)]

    def add_groups(buf, prow):
      for g in range(ngrp):
        plsc.addupdate_scatter(buf, [ivs[g]], prow[pl.ds(g * L, L)])

    def scatter_row(buf, prow, t):
      pltpu.sync_copy(p_hbm.at[batch, t], prow)
      add_groups(buf, prow)

    def unscatter(buf):
      for g in range(ngrp):
        plsc.store_scatter(buf, [ivs[g]], zero)

    cpp.wait()
    add_groups(buf0, prow0)
    cp0 = pltpu.async_copy(buf0, out_hbm.at[batch, t0], sem0)
    lax.fori_loop(0, V // (4 * L), zero1, 0)
    scatter_row(buf1, prow1, t0 + 1)
    cp1 = pltpu.async_copy(buf1, out_hbm.at[batch, t0 + 1], sem1)

    def row_body(q, _):
      t = t0 + 2 * q
      pltpu.make_async_copy(buf0, out_hbm.at[batch, t], sem0).wait()
      unscatter(buf0)
      scatter_row(buf0, prow0, t)
      pltpu.async_copy(buf0, out_hbm.at[batch, t], sem0)
      pltpu.make_async_copy(buf1, out_hbm.at[batch, t + 1], sem1).wait()
      unscatter(buf1)
      scatter_row(buf1, prow1, t + 1)
      pltpu.async_copy(buf1, out_hbm.at[batch, t + 1], sem1)
      return 0

    lax.fori_loop(1, rpw // 2, row_body, 0)

    pltpu.make_async_copy(buf0, out_hbm.at[batch, t0], sem0).wait()
    pltpu.make_async_copy(buf1, out_hbm.at[batch, t0], sem1).wait()
    del cp0, cp1

  return scatter_rows


def kernel(p_source_position, p_target_vocab, input_source):
  B, T, S = p_source_position.shape
  V = p_target_vocab.shape[-1]
  fn = _build(B, T, S, V)
  return fn(p_source_position.astype(jnp.float32),
            input_source.astype(jnp.int32))

# --- scband reference (transcript-rebuilt; emitter-appended) ---
"""Pipeline reference for scband-merge-distributions-68461778698487 (READ-ONLY COPY).

The authoritative reference and input builder live on the scoring server;
editing this copy changes nothing except your own understanding.
"""

import jax, jax.numpy as jnp
import numpy as np


def setup_inputs(seed: int = 0) -> dict:
    key = jax.random.key(seed)
    k1, k2, k3 = jax.random.split(key, 3)
    B, T, S, V = 4, 128, 256, 32000
    p_source_position = jax.random.uniform(k1, (B, T, S), dtype=jnp.float32)
    p_target_vocab = jax.random.uniform(k2, (B, T, V), dtype=jnp.float32)
    input_source = jax.random.randint(k3, (B, S), 0, V, dtype=jnp.int32)
    return {
        "p_source_position": p_source_position,
        "p_target_vocab": p_target_vocab,
        "input_source": input_source,
    }


def reference(p_source_position, p_target_vocab, input_source):
    # vocab_size comes from p_target_vocab (it is otherwise unused, matching torch module)
    vocab_size = p_target_vocab.shape[-1]
    # to_one_hot: scatter 1s into [B, S, V]
    source_one_hot = jax.nn.one_hot(input_source, vocab_size, dtype=p_source_position.dtype)
    # bmm: [B, T, S] x [B, S, V] -> [B, T, V]
    vocab_probs = jnp.matmul(p_source_position, source_one_hot)
    return vocab_probs

if __name__ == "__main__":
    import jax
    _d = setup_inputs()
    print(jax.jit(kernel)(*tuple(_d.values())))

</pallas_src>

<mosaic_0001>
#map = affine_map<(d0, d1) -> (0, 0, 0)>
#map1 = affine_map<(d0, d1) -> (0, 0)>
module attributes {stable_mosaic.version = 14 : i64} {
  func.func @scatter_rows(%arg0: i32, %arg1: i32, %arg2: memref<4x128x256xf32, #tpu.memory_space<hbm>>, %arg3: memref<4x256xi32, #tpu.memory_space<hbm>>, %arg4: memref<4x128x32000xf32, #tpu.memory_space<hbm>>, %arg5: memref<32000xf32, #tpu.memory_space<vmem>>, %arg6: memref<32000xf32, #tpu.memory_space<vmem>>, %arg7: memref<256xf32, #tpu.memory_space<vmem>>, %arg8: memref<256xf32, #tpu.memory_space<vmem>>, %arg9: memref<256xi32, #tpu.memory_space<vmem>>, %arg10: memref<!tpu.dma_semaphore, #tpu.memory_space<semaphore_mem>>, %arg11: memref<!tpu.dma_semaphore, #tpu.memory_space<semaphore_mem>>, %arg12: memref<!tpu.dma_semaphore, #tpu.memory_space<semaphore_mem>>) attributes {dimension_semantics = [#tpu.dimension_semantics<core_parallel>, #tpu.dimension_semantics<subcore_parallel>], iteration_bounds = array<i64: 2, 16>, scalar_prefetch = 0 : i64, scratch_operands = 8 : i64, tpu.core_type = #tpu.core_type<sc_vector_subcore>, window_params = [{transform_indices = #map}, {transform_indices = #map1}, {transform_indices = #map}]} {
    %mul3A = arith.constant 2 : i32
    %mul3A_0 = arith.muli %arg1, %mul3A : i32
    %add3A = arith.addi %mul3A_0, %arg0 : i32
    %mul3A_1 = arith.constant 16 : i32
    %mul3A_2 = arith.muli %add3A, %mul3A_1 : i32
    %jit3A = arith.constant 128 : i32
    %div3A = arith.divsi %mul3A_2, %jit3A : i32
    %sign3A = arith.constant 0 : i32
    %sign3A_3 = arith.cmpi sgt, %mul3A_2, %sign3A : i32
    %sign3A_4 = arith.extui %sign3A_3 : i1 to i32
    %sign3A_5 = arith.constant 0 : i32
    %sign3A_6 = arith.cmpi slt, %mul3A_2, %sign3A_5 : i32
    %sign3A_7 = arith.extui %sign3A_6 : i1 to i32
    %sign3A_8 = arith.subi %sign3A_4, %sign3A_7 : i32
    %sign3A_9 = arith.constant 0 : i32
    %sign3A_10 = arith.cmpi sgt, %jit3A, %sign3A_9 : i32
    %sign3A_11 = arith.extui %sign3A_10 : i1 to i32
    %sign3A_12 = arith.constant 0 : i32
    %sign3A_13 = arith.cmpi slt, %jit3A, %sign3A_12 : i32
    %sign3A_14 = arith.extui %sign3A_13 : i1 to i32
    %sign3A_15 = arith.subi %sign3A_11, %sign3A_14 : i32
    %ne3A = arith.cmpi ne, %sign3A_8, %sign3A_15 : i32
    %rem3A = arith.remsi %mul3A_2, %jit3A : i32
    %ne3A_16 = arith.constant 0 : i32
    %ne3A_17 = arith.cmpi ne, %rem3A, %ne3A_16 : i32
    %and3A = arith.andi %ne3A, %ne3A_17 : i1
    %sub3A = arith.constant 1 : i32
    %sub3A_18 = arith.subi %div3A, %sub3A : i32
    %select_n3A = arith.select %and3A, %sub3A_18, %div3A : i32
    %jit3A_19 = arith.constant 128 : i32
    %eq3A = arith.constant 0 : i32
    %eq3A_20 = arith.cmpi eq, %jit3A_19, %eq3A : i32
    %jit3A_21 = arith.constant 1 : i32
    %select_n3A_22 = arith.select %eq3A_20, %jit3A_21, %jit3A_19 : i32
    %rem3A_23 = arith.remsi %mul3A_2, %select_n3A_22 : i32
    %ne3A_24 = arith.constant 0 : i32
    %ne3A_25 = arith.cmpi ne, %rem3A_23, %ne3A_24 : i32
    %lt3A = arith.constant 0 : i32
    %lt3A_26 = arith.cmpi slt, %rem3A_23, %lt3A : i32
    %lt3A_27 = arith.constant 0 : i32
    %lt3A_28 = arith.cmpi slt, %select_n3A_22, %lt3A_27 : i32
    %ne3A_29 = arith.xori %lt3A_26, %lt3A_28 : i1
    %and3A_30 = arith.andi %ne3A_29, %ne3A_25 : i1
    %add3A_31 = arith.addi %rem3A_23, %select_n3A_22 : i32
    %select_n3A_32 = arith.select %and3A_30, %add3A_31, %rem3A_23 : i32
    "tpu.region"() ({
      %run_scoped3A = tpu.sem_alloc : memref<!tpu.dma_semaphore, #tpu.memory_space<semaphore_mem>>
      %dma_start3A_187 = arith.constant 0 : i32
      %dma_start3A_188 = tpu.memref_slice %arg3[%select_n3A, %dma_start3A_187] : memref<4x256xi32, #tpu.memory_space<hbm>> -> memref<1x256xi32, #tpu.memory_space<hbm>>
      %dma_start3A_189 = tpu.memref_squeeze %dma_start3A_188 : memref<1x256xi32, #tpu.memory_space<hbm>> -> memref<256xi32, #tpu.memory_space<hbm>>
      %dma_start3A_190 = arith.constant 0 : i32
      %dma_start3A_191 = tpu.memref_slice %arg3[%select_n3A, %dma_start3A_190] : memref<4x256xi32, #tpu.memory_space<hbm>> -> memref<1x256xi32, #tpu.memory_space<hbm>>
      %dma_start3A_192 = tpu.memref_squeeze %dma_start3A_191 : memref<1x256xi32, #tpu.memory_space<hbm>> -> memref<256xi32, #tpu.memory_space<hbm>>
      tpu.enqueue_dma source(%dma_start3A_192 : memref<256xi32, #tpu.memory_space<hbm>>) target(%arg9 : memref<256xi32, #tpu.memory_space<vmem>>) target_semaphore(%run_scoped3A : memref<!tpu.dma_semaphore, #tpu.memory_space<semaphore_mem>>)
      %dma_wait3A_193 = arith.constant 0 : i32
      %dma_wait3A_194 = tpu.memref_slice %arg3[%select_n3A, %dma_wait3A_193] : memref<4x256xi32, #tpu.memory_space<hbm>> -> memref<1x256xi32, #tpu.memory_space<hbm>>
      %dma_wait3A_195 = tpu.memref_squeeze %dma_wait3A_194 : memref<1x256xi32, #tpu.memory_space<hbm>> -> memref<256xi32, #tpu.memory_space<hbm>>
      %dma_wait3A_196 = arith.constant 0 : i32
      %dma_wait3A_197 = tpu.memref_slice %arg3[%select_n3A, %dma_wait3A_196] : memref<4x256xi32, #tpu.memory_space<hbm>> -> memref<1x256xi32, #tpu.memory_space<hbm>>
      %dma_wait3A_198 = tpu.memref_squeeze %dma_wait3A_197 : memref<1x256xi32, #tpu.memory_space<hbm>> -> memref<256xi32, #tpu.memory_space<hbm>>
      tpu.wait_dma2 semaphore(%run_scoped3A : memref<!tpu.dma_semaphore, #tpu.memory_space<semaphore_mem>>) src(%dma_wait3A_198 : memref<256xi32, #tpu.memory_space<hbm>>) dst(%arg9 : memref<256xi32, #tpu.memory_space<vmem>>)
      tpu.yield
    }) : () -> ()
    %dma_start3A = arith.constant 0 : i32
    %dma_start3A_33 = tpu.memref_slice %arg2[%select_n3A, %select_n3A_32, %dma_start3A] : memref<4x128x256xf32, #tpu.memory_space<hbm>> -> memref<1x1x256xf32, #tpu.memory_space<hbm>>
    %dma_start3A_34 = tpu.memref_squeeze %dma_start3A_33 : memref<1x1x256xf32, #tpu.memory_space<hbm>> -> memref<256xf32, #tpu.memory_space<hbm>>
    %dma_start3A_35 = arith.constant 0 : i32
    %dma_start3A_36 = tpu.memref_slice %arg2[%select_n3A, %select_n3A_32, %dma_start3A_35] : memref<4x128x256xf32, #tpu.memory_space<hbm>> -> memref<1x1x256xf32, #tpu.memory_space<hbm>>
    %dma_start3A_37 = tpu.memref_squeeze %dma_start3A_36 : memref<1x1x256xf32, #tpu.memory_space<hbm>> -> memref<256xf32, #tpu.memory_space<hbm>>
    tpu.enqueue_dma source(%dma_start3A_37 : memref<256xf32, #tpu.memory_space<hbm>>) target(%arg7 : memref<256xf32, #tpu.memory_space<vmem>>) target_semaphore(%arg12 : memref<!tpu.dma_semaphore, #tpu.memory_space<semaphore_mem>>)
    %broadcast_in_dim3A = arith.constant 0.000000e+00 : f32
    %broadcast_in_dim3A_38 = vector.broadcast %broadcast_in_dim3A : f32 to vector<16xf32>
    %scan3A = arith.constant 0 : i32
    %scan3A_39 = arith.constant 0 : i32
    %scan3A_40 = arith.constant 500 : i32
    %scan3A_41 = arith.addi %scan3A_39, %scan3A_40 : i32
    %scan3A_42 = arith.constant 1 : i32
    %scan3A_43 = scf.for %scan3A_187 = %scan3A_39 to %scan3A_41 step %scan3A_42 iter_args(%scan3A_188 = %scan3A) -> (i32)  : i32 {
      %mul3A_189 = arith.constant 4 : i32
      %mul3A_190 = arith.muli %scan3A_187, %mul3A_189 : i32
      %mul3A_191 = arith.constant 16 : i32
      %mul3A_192 = arith.muli %mul3A_190, %mul3A_191 : i32
      %swap3A = arith.index_cast %mul3A_192 : i32 to index
      %swap3A_193 = tpu.vector_load %arg5[%swap3A] {strides = array<i32>} : memref<32000xf32, #tpu.memory_space<vmem>>, vector<16xf32>,
      tpu.vector_store %arg5[%swap3A], %broadcast_in_dim3A_38 {strides = array<i32>} : memref<32000xf32, #tpu.memory_space<vmem>>, vector<16xf32>,
      %mul3A_194 = arith.constant 4 : i32
      %mul3A_195 = arith.muli %scan3A_187, %mul3A_194 : i32
      %add3A_196 = arith.constant 1 : i32
      %add3A_197 = arith.addi %mul3A_195, %add3A_196 : i32
      %mul3A_198 = arith.constant 16 : i32
      %mul3A_199 = arith.muli %add3A_197, %mul3A_198 : i32
      %swap3A_200 = arith.index_cast %mul3A_199 : i32 to index
      %swap3A_201 = tpu.vector_load %arg5[%swap3A_200] {strides = array<i32>} : memref<32000xf32, #tpu.memory_space<vmem>>, vector<16xf32>,
      tpu.vector_store %arg5[%swap3A_200], %broadcast_in_dim3A_38 {strides = array<i32>} : memref<32000xf32, #tpu.memory_space<vmem>>, vector<16xf32>,
      %mul3A_202 = arith.constant 4 : i32
      %mul3A_203 = arith.muli %scan3A_187, %mul3A_202 : i32
      %add3A_204 = arith.constant 2 : i32
      %add3A_205 = arith.addi %mul3A_203, %add3A_204 : i32
      %mul3A_206 = arith.constant 16 : i32
      %mul3A_207 = arith.muli %add3A_205, %mul3A_206 : i32
      %swap3A_208 = arith.index_cast %mul3A_207 : i32 to index
      %swap3A_209 = tpu.vector_load %arg5[%swap3A_208] {strides = array<i32>} : memref<32000xf32, #tpu.memory_space<vmem>>, vector<16xf32>,
      tpu.vector_store %arg5[%swap3A_208], %broadcast_in_dim3A_38 {strides = array<i32>} : memref<32000xf32, #tpu.memory_space<vmem>>, vector<16xf32>,
      %mul3A_210 = arith.constant 4 : i32
      %mul3A_211 = arith.muli %scan3A_187, %mul3A_210 : i32
      %add3A_212 = arith.constant 3 : i32
      %add3A_213 = arith.addi %mul3A_211, %add3A_212 : i32
      %mul3A_214 = arith.constant 16 : i32
      %mul3A_215 = arith.muli %add3A_213, %mul3A_214 : i32
      %swap3A_216 = arith.index_cast %mul3A_215 : i32 to index
      %swap3A_217 = tpu.vector_load %arg5[%swap3A_216] {strides = array<i32>} : memref<32000xf32, #tpu.memory_space<vmem>>, vector<16xf32>,
      tpu.vector_store %arg5[%swap3A_216], %broadcast_in_dim3A_38 {strides = array<i32>} : memref<32000xf32, #tpu.memory_space<vmem>>, vector<16xf32>,
      %scan3A_218 = arith.constant 0 : i32
      scf.yield %scan3A_218 : i32
    }
    %scan3A_44 = arith.constant 500 : i32
    %get3A = arith.constant 0 : index
    %get3A_45 = tpu.vector_load %arg9[%get3A] {strides = array<i32>} : memref<256xi32, #tpu.memory_space<vmem>>, vector<16xi32>,
    %get3A_46 = arith.constant 16 : index
    %get3A_47 = tpu.vector_load %arg9[%get3A_46] {strides = array<i32>} : memref<256xi32, #tpu.memory_space<vmem>>, vector<16xi32>,
    %get3A_48 = arith.constant 32 : index
    %get3A_49 = tpu.vector_load %arg9[%get3A_48] {strides = array<i32>} : memref<256xi32, #tpu.memory_space<vmem>>, vector<16xi32>,
    %get3A_50 = arith.constant 48 : index
    %get3A_51 = tpu.vector_load %arg9[%get3A_50] {strides = array<i32>} : memref<256xi32, #tpu.memory_space<vmem>>, vector<16xi32>,
    %get3A_52 = arith.constant 64 : index
    %get3A_53 = tpu.vector_load %arg9[%get3A_52] {strides = array<i32>} : memref<256xi32, #tpu.memory_space<vmem>>, vector<16xi32>,
    %get3A_54 = arith.constant 80 : index
    %get3A_55 = tpu.vector_load %arg9[%get3A_54] {strides = array<i32>} : memref<256xi32, #tpu.memory_space<vmem>>, vector<16xi32>,
    %get3A_56 = arith.constant 96 : index
    %get3A_57 = tpu.vector_load %arg9[%get3A_56] {strides = array<i32>} : memref<256xi32, #tpu.memory_space<vmem>>, vector<16xi32>,
    %get3A_58 = arith.constant 112 : index
    %get3A_59 = tpu.vector_load %arg9[%get3A_58] {strides = array<i32>} : memref<256xi32, #tpu.memory_space<vmem>>, vector<16xi32>,
    %get3A_60 = arith.constant 128 : index
    %get3A_61 = tpu.vector_load %arg9[%get3A_60] {strides = array<i32>} : memref<256xi32, #tpu.memory_space<vmem>>, vector<16xi32>,
    %get3A_62 = arith.constant 144 : index
    %get3A_63 = tpu.vector_load %arg9[%get3A_62] {strides = array<i32>} : memref<256xi32, #tpu.memory_space<vmem>>, vector<16xi32>,
    %get3A_64 = arith.constant 160 : index
    %get3A_65 = tpu.vector_load %arg9[%get3A_64] {strides = array<i32>} : memref<256xi32, #tpu.memory_space<vmem>>, vector<16xi32>,
    %get3A_66 = arith.constant 176 : index
    %get3A_67 = tpu.vector_load %arg9[%get3A_66] {strides = array<i32>} : memref<256xi32, #tpu.memory_space<vmem>>, vector<16xi32>,
    %get3A_68 = arith.constant 192 : index
    %get3A_69 = tpu.vector_load %arg9[%get3A_68] {strides = array<i32>} : memref<256xi32, #tpu.memory_space<vmem>>, vector<16xi32>,
    %get3A_70 = arith.constant 208 : index
    %get3A_71 = tpu.vector_load %arg9[%get3A_70] {strides = array<i32>} : memref<256xi32, #tpu.memory_space<vmem>>, vector<16xi32>,
    %get3A_72 = arith.constant 224 : index
    %get3A_73 = tpu.vector_load %arg9[%get3A_72] {strides = array<i32>} : memref<256xi32, #tpu.memory_space<vmem>>, vector<16xi32>,
    %get3A_74 = arith.constant 240 : index
    %get3A_75 = tpu.vector_load %arg9[%get3A_74] {strides = array<i32>} : memref<256xi32, #tpu.memory_space<vmem>>, vector<16xi32>,
    %dma_wait3A = arith.constant 0 : i32
    %dma_wait3A_76 = tpu.memref_slice %arg2[%select_n3A, %select_n3A_32, %dma_wait3A] : memref<4x128x256xf32, #tpu.memory_space<hbm>> -> memref<1x1x256xf32, #tpu.memory_space<hbm>>
    %dma_wait3A_77 = tpu.memref_squeeze %dma_wait3A_76 : memref<1x1x256xf32, #tpu.memory_space<hbm>> -> memref<256xf32, #tpu.memory_space<hbm>>
    %dma_wait3A_78 = arith.constant 0 : i32
    %dma_wait3A_79 = tpu.memref_slice %arg2[%select_n3A, %select_n3A_32, %dma_wait3A_78] : memref<4x128x256xf32, #tpu.memory_space<hbm>> -> memref<1x1x256xf32, #tpu.memory_space<hbm>>
    %dma_wait3A_80 = tpu.memref_squeeze %dma_wait3A_79 : memref<1x1x256xf32, #tpu.memory_space<hbm>> -> memref<256xf32, #tpu.memory_space<hbm>>
    tpu.wait_dma2 semaphore(%arg12 : memref<!tpu.dma_semaphore, #tpu.memory_space<semaphore_mem>>) src(%dma_wait3A_80 : memref<256xf32, #tpu.memory_space<hbm>>) dst(%arg7 : memref<256xf32, #tpu.memory_space<vmem>>)
    %get3A_81 = arith.constant 0 : index
    %get3A_82 = tpu.vector_load %arg7[%get3A_81] {strides = array<i32>} : memref<256xf32, #tpu.memory_space<vmem>>, vector<16xf32>,
    tpu.vector_store_idx %arg5[%get3A_45], %get3A_82 {add = true} : memref<32000xf32, #tpu.memory_space<vmem>>[vector<16xi32>], vector<16xf32>,
    %get3A_83 = arith.constant 16 : index
    %get3A_84 = tpu.vector_load %arg7[%get3A_83] {strides = array<i32>} : memref<256xf32, #tpu.memory_space<vmem>>, vector<16xf32>,
    tpu.vector_store_idx %arg5[%get3A_47], %get3A_84 {add = true} : memref<32000xf32, #tpu.memory_space<vmem>>[vector<16xi32>], vector<16xf32>,
    %get3A_85 = arith.constant 32 : index
    %get3A_86 = tpu.vector_load %arg7[%get3A_85] {strides = array<i32>} : memref<256xf32, #tpu.memory_space<vmem>>, vector<16xf32>,
    tpu.vector_store_idx %arg5[%get3A_49], %get3A_86 {add = true} : memref<32000xf32, #tpu.memory_space<vmem>>[vector<16xi32>], vector<16xf32>,
    %get3A_87 = arith.constant 48 : index
    %get3A_88 = tpu.vector_load %arg7[%get3A_87] {strides = array<i32>} : memref<256xf32, #tpu.memory_space<vmem>>, vector<16xf32>,
    tpu.vector_store_idx %arg5[%get3A_51], %get3A_88 {add = true} : memref<32000xf32, #tpu.memory_space<vmem>>[vector<16xi32>], vector<16xf32>,
    %get3A_89 = arith.constant 64 : index
    %get3A_90 = tpu.vector_load %arg7[%get3A_89] {strides = array<i32>} : memref<256xf32, #tpu.memory_space<vmem>>, vector<16xf32>,
    tpu.vector_store_idx %arg5[%get3A_53], %get3A_90 {add = true} : memref<32000xf32, #tpu.memory_space<vmem>>[vector<16xi32>], vector<16xf32>,
    %get3A_91 = arith.constant 80 : index
    %get3A_92 = tpu.vector_load %arg7[%get3A_91] {strides = array<i32>} : memref<256xf32, #tpu.memory_space<vmem>>, vector<16xf32>,
    tpu.vector_store_idx %arg5[%get3A_55], %get3A_92 {add = true} : memref<32000xf32, #tpu.memory_space<vmem>>[vector<16xi32>], vector<16xf32>,
    %get3A_93 = arith.constant 96 : index
    %get3A_94 = tpu.vector_load %arg7[%get3A_93] {strides = array<i32>} : memref<256xf32, #tpu.memory_space<vmem>>, vector<16xf32>,
    tpu.vector_store_idx %arg5[%get3A_57], %get3A_94 {add = true} : memref<32000xf32, #tpu.memory_space<vmem>>[vector<16xi32>], vector<16xf32>,
    %get3A_95 = arith.constant 112 : index
    %get3A_96 = tpu.vector_load %arg7[%get3A_95] {strides = array<i32>} : memref<256xf32, #tpu.memory_space<vmem>>, vector<16xf32>,
    tpu.vector_store_idx %arg5[%get3A_59], %get3A_96 {add = true} : memref<32000xf32, #tpu.memory_space<vmem>>[vector<16xi32>], vector<16xf32>,
    %get3A_97 = arith.constant 128 : index
    %get3A_98 = tpu.vector_load %arg7[%get3A_97] {strides = array<i32>} : memref<256xf32, #tpu.memory_space<vmem>>, vector<16xf32>,
    tpu.vector_store_idx %arg5[%get3A_61], %get3A_98 {add = true} : memref<32000xf32, #tpu.memory_space<vmem>>[vector<16xi32>], vector<16xf32>,
    %get3A_99 = arith.constant 144 : index
    %get3A_100 = tpu.vector_load %arg7[%get3A_99] {strides = array<i32>} : memref<256xf32, #tpu.memory_space<vmem>>, vector<16xf32>,
    tpu.vector_store_idx %arg5[%get3A_63], %get3A_100 {add = true} : memref<32000xf32, #tpu.memory_space<vmem>>[vector<16xi32>], vector<16xf32>,
    %get3A_101 = arith.constant 160 : index
    %get3A_102 = tpu.vector_load %arg7[%get3A_101] {strides = array<i32>} : memref<256xf32, #tpu.memory_space<vmem>>, vector<16xf32>,
    tpu.vector_store_idx %arg5[%get3A_65], %get3A_102 {add = true} : memref<32000xf32, #tpu.memory_space<vmem>>[vector<16xi32>], vector<16xf32>,
    %get3A_103 = arith.constant 176 : index
    %get3A_104 = tpu.vector_load %arg7[%get3A_103] {strides = array<i32>} : memref<256xf32, #tpu.memory_space<vmem>>, vector<16xf32>,
    tpu.vector_store_idx %arg5[%get3A_67], %get3A_104 {add = true} : memref<32000xf32, #tpu.memory_space<vmem>>[vector<16xi32>], vector<16xf32>,
    %get3A_105 = arith.constant 192 : index
    %get3A_106 = tpu.vector_load %arg7[%get3A_105] {strides = array<i32>} : memref<256xf32, #tpu.memory_space<vmem>>, vector<16xf32>,
    tpu.vector_store_idx %arg5[%get3A_69], %get3A_106 {add = true} : memref<32000xf32, #tpu.memory_space<vmem>>[vector<16xi32>], vector<16xf32>,
    %get3A_107 = arith.constant 208 : index
    %get3A_108 = tpu.vector_load %arg7[%get3A_107] {strides = array<i32>} : memref<256xf32, #tpu.memory_space<vmem>>, vector<16xf32>,
    tpu.vector_store_idx %arg5[%get3A_71], %get3A_108 {add = true} : memref<32000xf32, #tpu.memory_space<vmem>>[vector<16xi32>], vector<16xf32>,
    %get3A_109 = arith.constant 224 : index
    %get3A_110 = tpu.vector_load %arg7[%get3A_109] {strides = array<i32>} : memref<256xf32, #tpu.memory_space<vmem>>, vector<16xf32>,
    tpu.vector_store_idx %arg5[%get3A_73], %get3A_110 {add = true} : memref<32000xf32, #tpu.memory_space<vmem>>[vector<16xi32>], vector<16xf32>,
    %get3A_111 = arith.constant 240 : index
    %get3A_112 = tpu.vector_load %arg7[%get3A_111] {strides = array<i32>} : memref<256xf32, #tpu.memory_space<vmem>>, vector<16xf32>,
    tpu.vector_store_idx %arg5[%get3A_75], %get3A_112 {add = true} : memref<32000xf32, #tpu.memory_space<vmem>>[vector<16xi32>], vector<16xf32>,
    %dma_start3A_113 = arith.constant 0 : i32
    %dma_start3A_114 = tpu.memref_slice %arg4[%select_n3A, %select_n3A_32, %dma_start3A_113] : memref<4x128x32000xf32, #tpu.memory_space<hbm>> -> memref<1x1x32000xf32, #tpu.memory_space<hbm>>
    %dma_start3A_115 = tpu.memref_squeeze %dma_start3A_114 : memref<1x1x32000xf32, #tpu.memory_space<hbm>> -> memref<32000xf32, #tpu.memory_space<hbm>>
    %dma_start3A_116 = arith.constant 0 : i32
    %dma_start3A_117 = tpu.memref_slice %arg4[%select_n3A, %select_n3A_32, %dma_start3A_116] : memref<4x128x32000xf32, #tpu.memory_space<hbm>> -> memref<1x1x32000xf32, #tpu.memory_space<hbm>>
    %dma_start3A_118 = tpu.memref_squeeze %dma_start3A_117 : memref<1x1x32000xf32, #tpu.memory_space<hbm>> -> memref<32000xf32, #tpu.memory_space<hbm>>
    tpu.enqueue_dma source(%arg5 : memref<32000xf32, #tpu.memory_space<vmem>>) target(%dma_start3A_118 : memref<32000xf32, #tpu.memory_space<hbm>>) target_semaphore(%arg10 : memref<!tpu.dma_semaphore, #tpu.memory_space<semaphore_mem>>)
    %scan3A_119 = arith.constant 0 : i32
    %scan3A_120 = arith.constant 0 : i32
    %scan3A_121 = arith.constant 500 : i32
    %scan3A_122 = arith.addi %scan3A_120, %scan3A_121 : i32
    %scan3A_123 = arith.constant 1 : i32
    %scan3A_124 = scf.for %scan3A_187 = %scan3A_120 to %scan3A_122 step %scan3A_123 iter_args(%scan3A_188 = %scan3A_119) -> (i32)  : i32 {
      %mul3A_189 = arith.constant 4 : i32
      %mul3A_190 = arith.muli %scan3A_187, %mul3A_189 : i32
      %mul3A_191 = arith.constant 16 : i32
      %mul3A_192 = arith.muli %mul3A_190, %mul3A_191 : i32
      %swap3A = arith.index_cast %mul3A_192 : i32 to index
      %swap3A_193 = tpu.vector_load %arg6[%swap3A] {strides = array<i32>} : memref<32000xf32, #tpu.memory_space<vmem>>, vector<16xf32>,
      tpu.vector_store %arg6[%swap3A], %broadcast_in_dim3A_38 {strides = array<i32>} : memref<32000xf32, #tpu.memory_space<vmem>>, vector<16xf32>,
      %mul3A_194 = arith.constant 4 : i32
      %mul3A_195 = arith.muli %scan3A_187, %mul3A_194 : i32
      %add3A_196 = arith.constant 1 : i32
      %add3A_197 = arith.addi %mul3A_195, %add3A_196 : i32
      %mul3A_198 = arith.constant 16 : i32
      %mul3A_199 = arith.muli %add3A_197, %mul3A_198 : i32
      %swap3A_200 = arith.index_cast %mul3A_199 : i32 to index
      %swap3A_201 = tpu.vector_load %arg6[%swap3A_200] {strides = array<i32>} : memref<32000xf32, #tpu.memory_space<vmem>>, vector<16xf32>,
      tpu.vector_store %arg6[%swap3A_200], %broadcast_in_dim3A_38 {strides = array<i32>} : memref<32000xf32, #tpu.memory_space<vmem>>, vector<16xf32>,
      %mul3A_202 = arith.constant 4 : i32
      %mul3A_203 = arith.muli %scan3A_187, %mul3A_202 : i32
      %add3A_204 = arith.constant 2 : i32
      %add3A_205 = arith.addi %mul3A_203, %add3A_204 : i32
      %mul3A_206 = arith.constant 16 : i32
      %mul3A_207 = arith.muli %add3A_205, %mul3A_206 : i32
      %swap3A_208 = arith.index_cast %mul3A_207 : i32 to index
      %swap3A_209 = tpu.vector_load %arg6[%swap3A_208] {strides = array<i32>} : memref<32000xf32, #tpu.memory_space<vmem>>, vector<16xf32>,
      tpu.vector_store %arg6[%swap3A_208], %broadcast_in_dim3A_38 {strides = array<i32>} : memref<32000xf32, #tpu.memory_space<vmem>>, vector<16xf32>,
      %mul3A_210 = arith.constant 4 : i32
      %mul3A_211 = arith.muli %scan3A_187, %mul3A_210 : i32
      %add3A_212 = arith.constant 3 : i32
      %add3A_213 = arith.addi %mul3A_211, %add3A_212 : i32
      %mul3A_214 = arith.constant 16 : i32
      %mul3A_215 = arith.muli %add3A_213, %mul3A_214 : i32
      %swap3A_216 = arith.index_cast %mul3A_215 : i32 to index
      %swap3A_217 = tpu.vector_load %arg6[%swap3A_216] {strides = array<i32>} : memref<32000xf32, #tpu.memory_space<vmem>>, vector<16xf32>,
      tpu.vector_store %arg6[%swap3A_216], %broadcast_in_dim3A_38 {strides = array<i32>} : memref<32000xf32, #tpu.memory_space<vmem>>, vector<16xf32>,
      %scan3A_218 = arith.constant 0 : i32
      scf.yield %scan3A_218 : i32
    }
    %scan3A_125 = arith.constant 500 : i32
    %add3A_126 = arith.constant 1 : i32
    %add3A_127 = arith.addi %select_n3A_32, %add3A_126 : i32
    "tpu.region"() ({
      %run_scoped3A = tpu.sem_alloc : memref<!tpu.dma_semaphore, #tpu.memory_space<semaphore_mem>>
      %dma_start3A_187 = arith.constant 0 : i32
      %dma_start3A_188 = tpu.memref_slice %arg2[%select_n3A, %add3A_127, %dma_start3A_187] : memref<4x128x256xf32, #tpu.memory_space<hbm>> -> memref<1x1x256xf32, #tpu.memory_space<hbm>>
      %dma_start3A_189 = tpu.memref_squeeze %dma_start3A_188 : memref<1x1x256xf32, #tpu.memory_space<hbm>> -> memref<256xf32, #tpu.memory_space<hbm>>
      %dma_start3A_190 = arith.constant 0 : i32
      %dma_start3A_191 = tpu.memref_slice %arg2[%select_n3A, %add3A_127, %dma_start3A_190] : memref<4x128x256xf32, #tpu.memory_space<hbm>> -> memref<1x1x256xf32, #tpu.memory_space<hbm>>
      %dma_start3A_192 = tpu.memref_squeeze %dma_start3A_191 : memref<1x1x256xf32, #tpu.memory_space<hbm>> -> memref<256xf32, #tpu.memory_space<hbm>>
      tpu.enqueue_dma source(%dma_start3A_192 : memref<256xf32, #tpu.memory_space<hbm>>) target(%arg8 : memref<256xf32, #tpu.memory_space<vmem>>) target_semaphore(%run_scoped3A : memref<!tpu.dma_semaphore, #tpu.memory_space<semaphore_mem>>)
      %dma_wait3A_193 = arith.constant 0 : i32
      %dma_wait3A_194 = tpu.memref_slice %arg2[%select_n3A, %add3A_127, %dma_wait3A_193] : memref<4x128x256xf32, #tpu.memory_space<hbm>> -> memref<1x1x256xf32, #tpu.memory_space<hbm>>
      %dma_wait3A_195 = tpu.memref_squeeze %dma_wait3A_194 : memref<1x1x256xf32, #tpu.memory_space<hbm>> -> memref<256xf32, #tpu.memory_space<hbm>>
      %dma_wait3A_196 = arith.constant 0 : i32
      %dma_wait3A_197 = tpu.memref_slice %arg2[%select_n3A, %add3A_127, %dma_wait3A_196] : memref<4x128x256xf32, #tpu.memory_space<hbm>> -> memref<1x1x256xf32, #tpu.memory_space<hbm>>
      %dma_wait3A_198 = tpu.memref_squeeze %dma_wait3A_197 : memref<1x1x256xf32, #tpu.memory_space<hbm>> -> memref<256xf32, #tpu.memory_space<hbm>>
      tpu.wait_dma2 semaphore(%run_scoped3A : memref<!tpu.dma_semaphore, #tpu.memory_space<semaphore_mem>>) src(%dma_wait3A_198 : memref<256xf32, #tpu.memory_space<hbm>>) dst(%arg8 : memref<256xf32, #tpu.memory_space<vmem>>)
      tpu.yield
    }) : () -> ()
    %get3A_128 = arith.constant 0 : index
    %get3A_129 = tpu.vector_load %arg8[%get3A_128] {strides = array<i32>} : memref<256xf32, #tpu.memory_space<vmem>>, vector<16xf32>,
    tpu.vector_store_idx %arg6[%get3A_45], %get3A_129 {add = true} : memref<32000xf32, #tpu.memory_space<vmem>>[vector<16xi32>], vector<16xf32>,
    %get3A_130 = arith.constant 16 : index
    %get3A_131 = tpu.vector_load %arg8[%get3A_130] {strides = array<i32>} : memref<256xf32, #tpu.memory_space<vmem>>, vector<16xf32>,
    tpu.vector_store_idx %arg6[%get3A_47], %get3A_131 {add = true} : memref<32000xf32, #tpu.memory_space<vmem>>[vector<16xi32>], vector<16xf32>,
    %get3A_132 = arith.constant 32 : index
    %get3A_133 = tpu.vector_load %arg8[%get3A_132] {strides = array<i32>} : memref<256xf32, #tpu.memory_space<vmem>>, vector<16xf32>,
    tpu.vector_store_idx %arg6[%get3A_49], %get3A_133 {add = true} : memref<32000xf32, #tpu.memory_space<vmem>>[vector<16xi32>], vector<16xf32>,
    %get3A_134 = arith.constant 48 : index
    %get3A_135 = tpu.vector_load %arg8[%get3A_134] {strides = array<i32>} : memref<256xf32, #tpu.memory_space<vmem>>, vector<16xf32>,
    tpu.vector_store_idx %arg6[%get3A_51], %get3A_135 {add = true} : memref<32000xf32, #tpu.memory_space<vmem>>[vector<16xi32>], vector<16xf32>,
    %get3A_136 = arith.constant 64 : index
    %get3A_137 = tpu.vector_load %arg8[%get3A_136] {strides = array<i32>} : memref<256xf32, #tpu.memory_space<vmem>>, vector<16xf32>,
    tpu.vector_store_idx %arg6[%get3A_53], %get3A_137 {add = true} : memref<32000xf32, #tpu.memory_space<vmem>>[vector<16xi32>], vector<16xf32>,
    %get3A_138 = arith.constant 80 : index
    %get3A_139 = tpu.vector_load %arg8[%get3A_138] {strides = array<i32>} : memref<256xf32, #tpu.memory_space<vmem>>, vector<16xf32>,
    tpu.vector_store_idx %arg6[%get3A_55], %get3A_139 {add = true} : memref<32000xf32, #tpu.memory_space<vmem>>[vector<16xi32>], vector<16xf32>,
    %get3A_140 = arith.constant 96 : index
    %get3A_141 = tpu.vector_load %arg8[%get3A_140] {strides = array<i32>} : memref<256xf32, #tpu.memory_space<vmem>>, vector<16xf32>,
    tpu.vector_store_idx %arg6[%get3A_57], %get3A_141 {add = true} : memref<32000xf32, #tpu.memory_space<vmem>>[vector<16xi32>], vector<16xf32>,
    %get3A_142 = arith.constant 112 : index
    %get3A_143 = tpu.vector_load %arg8[%get3A_142] {strides = array<i32>} : memref<256xf32, #tpu.memory_space<vmem>>, vector<16xf32>,
    tpu.vector_store_idx %arg6[%get3A_59], %get3A_143 {add = true} : memref<32000xf32, #tpu.memory_space<vmem>>[vector<16xi32>], vector<16xf32>,
    %get3A_144 = arith.constant 128 : index
    %get3A_145 = tpu.vector_load %arg8[%get3A_144] {strides = array<i32>} : memref<256xf32, #tpu.memory_space<vmem>>, vector<16xf32>,
    tpu.vector_store_idx %arg6[%get3A_61], %get3A_145 {add = true} : memref<32000xf32, #tpu.memory_space<vmem>>[vector<16xi32>], vector<16xf32>,
    %get3A_146 = arith.constant 144 : index
    %get3A_147 = tpu.vector_load %arg8[%get3A_146] {strides = array<i32>} : memref<256xf32, #tpu.memory_space<vmem>>, vector<16xf32>,
    tpu.vector_store_idx %arg6[%get3A_63], %get3A_147 {add = true} : memref<32000xf32, #tpu.memory_space<vmem>>[vector<16xi32>], vector<16xf32>,
    %get3A_148 = arith.constant 160 : index
    %get3A_149 = tpu.vector_load %arg8[%get3A_148] {strides = array<i32>} : memref<256xf32, #tpu.memory_space<vmem>>, vector<16xf32>,
    tpu.vector_store_idx %arg6[%get3A_65], %get3A_149 {add = true} : memref<32000xf32, #tpu.memory_space<vmem>>[vector<16xi32>], vector<16xf32>,
    %get3A_150 = arith.constant 176 : index
    %get3A_151 = tpu.vector_load %arg8[%get3A_150] {strides = array<i32>} : memref<256xf32, #tpu.memory_space<vmem>>, vector<16xf32>,
    tpu.vector_store_idx %arg6[%get3A_67], %get3A_151 {add = true} : memref<32000xf32, #tpu.memory_space<vmem>>[vector<16xi32>], vector<16xf32>,
    %get3A_152 = arith.constant 192 : index
    %get3A_153 = tpu.vector_load %arg8[%get3A_152] {strides = array<i32>} : memref<256xf32, #tpu.memory_space<vmem>>, vector<16xf32>,
    tpu.vector_store_idx %arg6[%get3A_69], %get3A_153 {add = true} : memref<32000xf32, #tpu.memory_space<vmem>>[vector<16xi32>], vector<16xf32>,
    %get3A_154 = arith.constant 208 : index
    %get3A_155 = tpu.vector_load %arg8[%get3A_154] {strides = array<i32>} : memref<256xf32, #tpu.memory_space<vmem>>, vector<16xf32>,
    tpu.vector_store_idx %arg6[%get3A_71], %get3A_155 {add = true} : memref<32000xf32, #tpu.memory_space<vmem>>[vector<16xi32>], vector<16xf32>,
    %get3A_156 = arith.constant 224 : index
    %get3A_157 = tpu.vector_load %arg8[%get3A_156] {strides = array<i32>} : memref<256xf32, #tpu.memory_space<vmem>>, vector<16xf32>,
    tpu.vector_store_idx %arg6[%get3A_73], %get3A_157 {add = true} : memref<32000xf32, #tpu.memory_space<vmem>>[vector<16xi32>], vector<16xf32>,
    %get3A_158 = arith.constant 240 : index
    %get3A_159 = tpu.vector_load %arg8[%get3A_158] {strides = array<i32>} : memref<256xf32, #tpu.memory_space<vmem>>, vector<16xf32>,
    tpu.vector_store_idx %arg6[%get3A_75], %get3A_159 {add = true} : memref<32000xf32, #tpu.memory_space<vmem>>[vector<16xi32>], vector<16xf32>,
    %add3A_160 = arith.constant 1 : i32
    %add3A_161 = arith.addi %select_n3A_32, %add3A_160 : i32
    %dma_start3A_162 = arith.constant 0 : i32
    %dma_start3A_163 = tpu.memref_slice %arg4[%select_n3A, %add3A_161, %dma_start3A_162] : memref<4x128x32000xf32, #tpu.memory_space<hbm>> -> memref<1x1x32000xf32, #tpu.memory_space<hbm>>
    %dma_start3A_164 = tpu.memref_squeeze %dma_start3A_163 : memref<1x1x32000xf32, #tpu.memory_space<hbm>> -> memref<32000xf32, #tpu.memory_space<hbm>>
    %dma_start3A_165 = arith.constant 0 : i32
    %dma_start3A_166 = tpu.memref_slice %arg4[%select_n3A, %add3A_161, %dma_start3A_165] : memref<4x128x32000xf32, #tpu.memory_space<hbm>> -> memref<1x1x32000xf32, #tpu.memory_space<hbm>>
    %dma_start3A_167 = tpu.memref_squeeze %dma_start3A_166 : memref<1x1x32000xf32, #tpu.memory_space<hbm>> -> memref<32000xf32, #tpu.memory_space<hbm>>
    tpu.enqueue_dma source(%arg6 : memref<32000xf32, #tpu.memory_space<vmem>>) target(%dma_start3A_167 : memref<32000xf32, #tpu.memory_space<hbm>>) target_semaphore(%arg11 : memref<!tpu.dma_semaphore, #tpu.memory_space<semaphore_mem>>)
    %scan3A_168 = arith.constant 0 : i32
    %scan3A_169 = arith.constant 1 : i32
    %scan3A_170 = arith.constant 7 : i32
    %scan3A_171 = arith.addi %scan3A_169, %scan3A_170 : i32
    %scan3A_172 = arith.constant 1 : i32
    %scan3A_173 = scf.for %scan3A_187 = %scan3A_169 to %scan3A_171 step %scan3A_172 iter_args(%scan3A_188 = %scan3A_168) -> (i32)  : i32 {
      %mul3A_189 = arith.constant 2 : i32
      %mul3A_190 = arith.muli %mul3A_189, %scan3A_187 : i32
      %add3A_191 = arith.addi %select_n3A_32, %mul3A_190 : i32
      %dma_wait3A_192 = arith.constant 0 : i32
      %dma_wait3A_193 = tpu.memref_slice %arg4[%select_n3A, %add3A_191, %dma_wait3A_192] : memref<4x128x32000xf32, #tpu.memory_space<hbm>> -> memref<1x1x32000xf32, #tpu.memory_space<hbm>>
      %dma_wait3A_194 = tpu.memref_squeeze %dma_wait3A_193 : memref<1x1x32000xf32, #tpu.memory_space<hbm>> -> memref<32000xf32, #tpu.memory_space<hbm>>
      %dma_wait3A_195 = arith.constant 0 : i32
      %dma_wait3A_196 = tpu.memref_slice %arg4[%select_n3A, %add3A_191, %dma_wait3A_195] : memref<4x128x32000xf32, #tpu.memory_space<hbm>> -> memref<1x1x32000xf32, #tpu.memory_space<hbm>>
      %dma_wait3A_197 = tpu.memref_squeeze %dma_wait3A_196 : memref<1x1x32000xf32, #tpu.memory_space<hbm>> -> memref<32000xf32, #tpu.memory_space<hbm>>
      tpu.wait_dma2 semaphore(%arg10 : memref<!tpu.dma_semaphore, #tpu.memory_space<semaphore_mem>>) src(%arg5 : memref<32000xf32, #tpu.memory_space<vmem>>) dst(%dma_wait3A_197 : memref<32000xf32, #tpu.memory_space<hbm>>)
      tpu.vector_store_idx %arg5[%get3A_45], %broadcast_in_dim3A_38 : memref<32000xf32, #tpu.memory_space<vmem>>[vector<16xi32>], vector<16xf32>,
      tpu.vector_store_idx %arg5[%get3A_47], %broadcast_in_dim3A_38 : memref<32000xf32, #tpu.memory_space<vmem>>[vector<16xi32>], vector<16xf32>,
      tpu.vector_store_idx %arg5[%get3A_49], %broadcast_in_dim3A_38 : memref<32000xf32, #tpu.memory_space<vmem>>[vector<16xi32>], vector<16xf32>,
      tpu.vector_store_idx %arg5[%get3A_51], %broadcast_in_dim3A_38 : memref<32000xf32, #tpu.memory_space<vmem>>[vector<16xi32>], vector<16xf32>,
      tpu.vector_store_idx %arg5[%get3A_53], %broadcast_in_dim3A_38 : memref<32000xf32, #tpu.memory_space<vmem>>[vector<16xi32>], vector<16xf32>,
      tpu.vector_store_idx %arg5[%get3A_55], %broadcast_in_dim3A_38 : memref<32000xf32, #tpu.memory_space<vmem>>[vector<16xi32>], vector<16xf32>,
      tpu.vector_store_idx %arg5[%get3A_57], %broadcast_in_dim3A_38 : memref<32000xf32, #tpu.memory_space<vmem>>[vector<16xi32>], vector<16xf32>,
      tpu.vector_store_idx %arg5[%get3A_59], %broadcast_in_dim3A_38 : memref<32000xf32, #tpu.memory_space<vmem>>[vector<16xi32>], vector<16xf32>,
      tpu.vector_store_idx %arg5[%get3A_61], %broadcast_in_dim3A_38 : memref<32000xf32, #tpu.memory_space<vmem>>[vector<16xi32>], vector<16xf32>,
      tpu.vector_store_idx %arg5[%get3A_63], %broadcast_in_dim3A_38 : memref<32000xf32, #tpu.memory_space<vmem>>[vector<16xi32>], vector<16xf32>,
      tpu.vector_store_idx %arg5[%get3A_65], %broadcast_in_dim3A_38 : memref<32000xf32, #tpu.memory_space<vmem>>[vector<16xi32>], vector<16xf32>,
      tpu.vector_store_idx %arg5[%get3A_67], %broadcast_in_dim3A_38 : memref<32000xf32, #tpu.memory_space<vmem>>[vector<16xi32>], vector<16xf32>,
      tpu.vector_store_idx %arg5[%get3A_69], %broadcast_in_dim3A_38 : memref<32000xf32, #tpu.memory_space<vmem>>[vector<16xi32>], vector<16xf32>,
      tpu.vector_store_idx %arg5[%get3A_71], %broadcast_in_dim3A_38 : memref<32000xf32, #tpu.memory_space<vmem>>[vector<16xi32>], vector<16xf32>,
      tpu.vector_store_idx %arg5[%get3A_73], %broadcast_in_dim3A_38 : memref<32000xf32, #tpu.memory_space<vmem>>[vector<16xi32>], vector<16xf32>,
      tpu.vector_store_idx %arg5[%get3A_75], %broadcast_in_dim3A_38 : memref<32000xf32, #tpu.memory_space<vmem>>[vector<16xi32>], vector<16xf32>,
      "tpu.region"() ({
        %run_scoped3A = tpu.sem_alloc : memref<!tpu.dma_semaphore, #tpu.memory_space<semaphore_mem>>
        %dma_start3A_287 = arith.constant 0 : i32
        %dma_start3A_288 = tpu.memref_slice %arg2[%select_n3A, %add3A_191, %dma_start3A_287] : memref<4x128x256xf32, #tpu.memory_space<hbm>> -> memref<1x1x256xf32, #tpu.memory_space<hbm>>
        %dma_start3A_289 = tpu.memref_squeeze %dma_start3A_288 : memref<1x1x256xf32, #tpu.memory_space<hbm>> -> memref<256xf32, #tpu.memory_space<hbm>>
        %dma_start3A_290 = arith.constant 0 : i32
        %dma_start3A_291 = tpu.memref_slice %arg2[%select_n3A, %add3A_191, %dma_start3A_290] : memref<4x128x256xf32, #tpu.memory_space<hbm>> -> memref<1x1x256xf32, #tpu.memory_space<hbm>>
        %dma_start3A_292 = tpu.memref_squeeze %dma_start3A_291 : memref<1x1x256xf32, #tpu.memory_space<hbm>> -> memref<256xf32, #tpu.memory_space<hbm>>
        tpu.enqueue_dma source(%dma_start3A_292 : memref<256xf32, #tpu.memory_space<hbm>>) target(%arg7 : memref<256xf32, #tpu.memory_space<vmem>>) target_semaphore(%run_scoped3A : memref<!tpu.dma_semaphore, #tpu.memory_space<semaphore_mem>>)
        %dma_wait3A_293 = arith.constant 0 : i32
        %dma_wait3A_294 = tpu.memref_slice %arg2[%select_n3A, %add3A_191, %dma_wait3A_293] : memref<4x128x256xf32, #tpu.memory_space<hbm>> -> memref<1x1x256xf32, #tpu.memory_space<hbm>>
        %dma_wait3A_295 = tpu.memref_squeeze %dma_wait3A_294 : memref<1x1x256xf32, #tpu.memory_space<hbm>> -> memref<256xf32, #tpu.memory_space<hbm>>
        %dma_wait3A_296 = arith.constant 0 : i32
        %dma_wait3A_297 = tpu.memref_slice %arg2[%select_n3A, %add3A_191, %dma_wait3A_296] : memref<4x128x256xf32, #tpu.memory_space<hbm>> -> memref<1x1x256xf32, #tpu.memory_space<hbm>>
        %dma_wait3A_298 = tpu.memref_squeeze %dma_wait3A_297 : memref<1x1x256xf32, #tpu.memory_space<hbm>> -> memref<256xf32, #tpu.memory_space<hbm>>
        tpu.wait_dma2 semaphore(%run_scoped3A : memref<!tpu.dma_semaphore, #tpu.memory_space<semaphore_mem>>) src(%dma_wait3A_298 : memref<256xf32, #tpu.memory_space<hbm>>) dst(%arg7 : memref<256xf32, #tpu.memory_space<vmem>>)
        tpu.yield
      }) : () -> ()
      %get3A_198 = arith.constant 0 : index
      %get3A_199 = tpu.vector_load %arg7[%get3A_198] {strides = array<i32>} : memref<256xf32, #tpu.memory_space<vmem>>, vector<16xf32>,
      tpu.vector_store_idx %arg5[%get3A_45], %get3A_199 {add = true} : memref<32000xf32, #tpu.memory_space<vmem>>[vector<16xi32>], vector<16xf32>,
      %get3A_200 = arith.constant 16 : index
      %get3A_201 = tpu.vector_load %arg7[%get3A_200] {strides = array<i32>} : memref<256xf32, #tpu.memory_space<vmem>>, vector<16xf32>,
      tpu.vector_store_idx %arg5[%get3A_47], %get3A_201 {add = true} : memref<32000xf32, #tpu.memory_space<vmem>>[vector<16xi32>], vector<16xf32>,
      %get3A_202 = arith.constant 32 : index
      %get3A_203 = tpu.vector_load %arg7[%get3A_202] {strides = array<i32>} : memref<256xf32, #tpu.memory_space<vmem>>, vector<16xf32>,
      tpu.vector_store_idx %arg5[%get3A_49], %get3A_203 {add = true} : memref<32000xf32, #tpu.memory_space<vmem>>[vector<16xi32>], vector<16xf32>,
      %get3A_204 = arith.constant 48 : index
      %get3A_205 = tpu.vector_load %arg7[%get3A_204] {strides = array<i32>} : memref<256xf32, #tpu.memory_space<vmem>>, vector<16xf32>,
      tpu.vector_store_idx %arg5[%get3A_51], %get3A_205 {add = true} : memref<32000xf32, #tpu.memory_space<vmem>>[vector<16xi32>], vector<16xf32>,
      %get3A_206 = arith.constant 64 : index
      %get3A_207 = tpu.vector_load %arg7[%get3A_206] {strides = array<i32>} : memref<256xf32, #tpu.memory_space<vmem>>, vector<16xf32>,
      tpu.vector_store_idx %arg5[%get3A_53], %get3A_207 {add = true} : memref<32000xf32, #tpu.memory_space<vmem>>[vector<16xi32>], vector<16xf32>,
      %get3A_208 = arith.constant 80 : index
      %get3A_209 = tpu.vector_load %arg7[%get3A_208] {strides = array<i32>} : memref<256xf32, #tpu.memory_space<vmem>>, vector<16xf32>,
      tpu.vector_store_idx %arg5[%get3A_55], %get3A_209 {add = true} : memref<32000xf32, #tpu.memory_space<vmem>>[vector<16xi32>], vector<16xf32>,
      %get3A_210 = arith.constant 96 : index
      %get3A_211 = tpu.vector_load %arg7[%get3A_210] {strides = array<i32>} : memref<256xf32, #tpu.memory_space<vmem>>, vector<16xf32>,
      tpu.vector_store_idx %arg5[%get3A_57], %get3A_211 {add = true} : memref<32000xf32, #tpu.memory_space<vmem>>[vector<16xi32>], vector<16xf32>,
      %get3A_212 = arith.constant 112 : index
      %get3A_213 = tpu.vector_load %arg7[%get3A_212] {strides = array<i32>} : memref<256xf32, #tpu.memory_space<vmem>>, vector<16xf32>,
      tpu.vector_store_idx %arg5[%get3A_59], %get3A_213 {add = true} : memref<32000xf32, #tpu.memory_space<vmem>>[vector<16xi32>], vector<16xf32>,
      %get3A_214 = arith.constant 128 : index
      %get3A_215 = tpu.vector_load %arg7[%get3A_214] {strides = array<i32>} : memref<256xf32, #tpu.memory_space<vmem>>, vector<16xf32>,
      tpu.vector_store_idx %arg5[%get3A_61], %get3A_215 {add = true} : memref<32000xf32, #tpu.memory_space<vmem>>[vector<16xi32>], vector<16xf32>,
      %get3A_216 = arith.constant 144 : index
      %get3A_217 = tpu.vector_load %arg7[%get3A_216] {strides = array<i32>} : memref<256xf32, #tpu.memory_space<vmem>>, vector<16xf32>,
      tpu.vector_store_idx %arg5[%get3A_63], %get3A_217 {add = true} : memref<32000xf32, #tpu.memory_space<vmem>>[vector<16xi32>], vector<16xf32>,
      %get3A_218 = arith.constant 160 : index
      %get3A_219 = tpu.vector_load %arg7[%get3A_218] {strides = array<i32>} : memref<256xf32, #tpu.memory_space<vmem>>, vector<16xf32>,
      tpu.vector_store_idx %arg5[%get3A_65], %get3A_219 {add = true} : memref<32000xf32, #tpu.memory_space<vmem>>[vector<16xi32>], vector<16xf32>,
      %get3A_220 = arith.constant 176 : index
      %get3A_221 = tpu.vector_load %arg7[%get3A_220] {strides = array<i32>} : memref<256xf32, #tpu.memory_space<vmem>>, vector<16xf32>,
      tpu.vector_store_idx %arg5[%get3A_67], %get3A_221 {add = true} : memref<32000xf32, #tpu.memory_space<vmem>>[vector<16xi32>], vector<16xf32>,
      %get3A_222 = arith.constant 192 : index
      %get3A_223 = tpu.vector_load %arg7[%get3A_222] {strides = array<i32>} : memref<256xf32, #tpu.memory_space<vmem>>, vector<16xf32>,
      tpu.vector_store_idx %arg5[%get3A_69], %get3A_223 {add = true} : memref<32000xf32, #tpu.memory_space<vmem>>[vector<16xi32>], vector<16xf32>,
      %get3A_224 = arith.constant 208 : index
      %get3A_225 = tpu.vector_load %arg7[%get3A_224] {strides = array<i32>} : memref<256xf32, #tpu.memory_space<vmem>>, vector<16xf32>,
      tpu.vector_store_idx %arg5[%get3A_71], %get3A_225 {add = true} : memref<32000xf32, #tpu.memory_space<vmem>>[vector<16xi32>], vector<16xf32>,
      %get3A_226 = arith.constant 224 : index
      %get3A_227 = tpu.vector_load %arg7[%get3A_226] {strides = array<i32>} : memref<256xf32, #tpu.memory_space<vmem>>, vector<16xf32>,
      tpu.vector_store_idx %arg5[%get3A_73], %get3A_227 {add = true} : memref<32000xf32, #tpu.memory_space<vmem>>[vector<16xi32>], vector<16xf32>,
      %get3A_228 = arith.constant 240 : index
      %get3A_229 = tpu.vector_load %arg7[%get3A_228] {strides = array<i32>} : memref<256xf32, #tpu.memory_space<vmem>>, vector<16xf32>,
      tpu.vector_store_idx %arg5[%get3A_75], %get3A_229 {add = true} : memref<32000xf32, #tpu.memory_space<vmem>>[vector<16xi32>], vector<16xf32>,
      %dma_start3A_230 = arith.constant 0 : i32
      %dma_start3A_231 = tpu.memref_slice %arg4[%select_n3A, %add3A_191, %dma_start3A_230] : memref<4x128x32000xf32, #tpu.memory_space<hbm>> -> memref<1x1x32000xf32, #tpu.memory_space<hbm>>
      %dma_start3A_232 = tpu.memref_squeeze %dma_start3A_231 : memref<1x1x32000xf32, #tpu.memory_space<hbm>> -> memref<32000xf32, #tpu.memory_space<hbm>>
      %dma_start3A_233 = arith.constant 0 : i32
      %dma_start3A_234 = tpu.memref_slice %arg4[%select_n3A, %add3A_191, %dma_start3A_233] : memref<4x128x32000xf32, #tpu.memory_space<hbm>> -> memref<1x1x32000xf32, #tpu.memory_space<hbm>>
      %dma_start3A_235 = tpu.memref_squeeze %dma_start3A_234 : memref<1x1x32000xf32, #tpu.memory_space<hbm>> -> memref<32000xf32, #tpu.memory_space<hbm>>
      tpu.enqueue_dma source(%arg5 : memref<32000xf32, #tpu.memory_space<vmem>>) target(%dma_start3A_235 : memref<32000xf32, #tpu.memory_space<hbm>>) target_semaphore(%arg10 : memref<!tpu.dma_semaphore, #tpu.memory_space<semaphore_mem>>)
      %add3A_236 = arith.constant 1 : i32
      %add3A_237 = arith.addi %add3A_191, %add3A_236 : i32
      %dma_wait3A_238 = arith.constant 0 : i32
      %dma_wait3A_239 = tpu.memref_slice %arg4[%select_n3A, %add3A_237, %dma_wait3A_238] : memref<4x128x32000xf32, #tpu.memory_space<hbm>> -> memref<1x1x32000xf32, #tpu.memory_space<hbm>>
      %dma_wait3A_240 = tpu.memref_squeeze %dma_wait3A_239 : memref<1x1x32000xf32, #tpu.memory_space<hbm>> -> memref<32000xf32, #tpu.memory_space<hbm>>
      %dma_wait3A_241 = arith.constant 0 : i32
      %dma_wait3A_242 = tpu.memref_slice %arg4[%select_n3A, %add3A_237, %dma_wait3A_241] : memref<4x128x32000xf32, #tpu.memory_space<hbm>> -> memref<1x1x32000xf32, #tpu.memory_space<hbm>>
      %dma_wait3A_243 = tpu.memref_squeeze %dma_wait3A_242 : memref<1x1x32000xf32, #tpu.memory_space<hbm>> -> memref<32000xf32, #tpu.memory_space<hbm>>
      tpu.wait_dma2 semaphore(%arg11 : memref<!tpu.dma_semaphore, #tpu.memory_space<semaphore_mem>>) src(%arg6 : memref<32000xf32, #tpu.memory_space<vmem>>) dst(%dma_wait3A_243 : memref<32000xf32, #tpu.memory_space<hbm>>)
      tpu.vector_store_idx %arg6[%get3A_45], %broadcast_in_dim3A_38 : memref<32000xf32, #tpu.memory_space<vmem>>[vector<16xi32>], vector<16xf32>,
      tpu.vector_store_idx %arg6[%get3A_47], %broadcast_in_dim3A_38 : memref<32000xf32, #tpu.memory_space<vmem>>[vector<16xi32>], vector<16xf32>,
      tpu.vector_store_idx %arg6[%get3A_49], %broadcast_in_dim3A_38 : memref<32000xf32, #tpu.memory_space<vmem>>[vector<16xi32>], vector<16xf32>,
      tpu.vector_store_idx %arg6[%get3A_51], %broadcast_in_dim3A_38 : memref<32000xf32, #tpu.memory_space<vmem>>[vector<16xi32>], vector<16xf32>,
      tpu.vector_store_idx %arg6[%get3A_53], %broadcast_in_dim3A_38 : memref<32000xf32, #tpu.memory_space<vmem>>[vector<16xi32>], vector<16xf32>,
      tpu.vector_store_idx %arg6[%get3A_55], %broadcast_in_dim3A_38 : memref<32000xf32, #tpu.memory_space<vmem>>[vector<16xi32>], vector<16xf32>,
      tpu.vector_store_idx %arg6[%get3A_57], %broadcast_in_dim3A_38 : memref<32000xf32, #tpu.memory_space<vmem>>[vector<16xi32>], vector<16xf32>,
      tpu.vector_store_idx %arg6[%get3A_59], %broadcast_in_dim3A_38 : memref<32000xf32, #tpu.memory_space<vmem>>[vector<16xi32>], vector<16xf32>,
      tpu.vector_store_idx %arg6[%get3A_61], %broadcast_in_dim3A_38 : memref<32000xf32, #tpu.memory_space<vmem>>[vector<16xi32>], vector<16xf32>,
      tpu.vector_store_idx %arg6[%get3A_63], %broadcast_in_dim3A_38 : memref<32000xf32, #tpu.memory_space<vmem>>[vector<16xi32>], vector<16xf32>,
      tpu.vector_store_idx %arg6[%get3A_65], %broadcast_in_dim3A_38 : memref<32000xf32, #tpu.memory_space<vmem>>[vector<16xi32>], vector<16xf32>,
      tpu.vector_store_idx %arg6[%get3A_67], %broadcast_in_dim3A_38 : memref<32000xf32, #tpu.memory_space<vmem>>[vector<16xi32>], vector<16xf32>,
      tpu.vector_store_idx %arg6[%get3A_69], %broadcast_in_dim3A_38 : memref<32000xf32, #tpu.memory_space<vmem>>[vector<16xi32>], vector<16xf32>,
      tpu.vector_store_idx %arg6[%get3A_71], %broadcast_in_dim3A_38 : memref<32000xf32, #tpu.memory_space<vmem>>[vector<16xi32>], vector<16xf32>,
      tpu.vector_store_idx %arg6[%get3A_73], %broadcast_in_dim3A_38 : memref<32000xf32, #tpu.memory_space<vmem>>[vector<16xi32>], vector<16xf32>,
      tpu.vector_store_idx %arg6[%get3A_75], %broadcast_in_dim3A_38 : memref<32000xf32, #tpu.memory_space<vmem>>[vector<16xi32>], vector<16xf32>,
      %add3A_244 = arith.constant 1 : i32
      %add3A_245 = arith.addi %add3A_191, %add3A_244 : i32
      "tpu.region"() ({
        %run_scoped3A = tpu.sem_alloc : memref<!tpu.dma_semaphore, #tpu.memory_space<semaphore_mem>>
        %dma_start3A_287 = arith.constant 0 : i32
        %dma_start3A_288 = tpu.memref_slice %arg2[%select_n3A, %add3A_245, %dma_start3A_287] : memref<4x128x256xf32, #tpu.memory_space<hbm>> -> memref<1x1x256xf32, #tpu.memory_space<hbm>>
        %dma_start3A_289 = tpu.memref_squeeze %dma_start3A_288 : memref<1x1x256xf32, #tpu.memory_space<hbm>> -> memref<256xf32, #tpu.memory_space<hbm>>
        %dma_start3A_290 = arith.constant 0 : i32
        %dma_start3A_291 = tpu.memref_slice %arg2[%select_n3A, %add3A_245, %dma_start3A_290] : memref<4x128x256xf32, #tpu.memory_space<hbm>> -> memref<1x1x256xf32, #tpu.memory_space<hbm>>
        %dma_start3A_292 = tpu.memref_squeeze %dma_start3A_291 : memref<1x1x256xf32, #tpu.memory_space<hbm>> -> memref<256xf32, #tpu.memory_space<hbm>>
        tpu.enqueue_dma source(%dma_start3A_292 : memref<256xf32, #tpu.memory_space<hbm>>) target(%arg8 : memref<256xf32, #tpu.memory_space<vmem>>) target_semaphore(%run_scoped3A : memref<!tpu.dma_semaphore, #tpu.memory_space<semaphore_mem>>)
        %dma_wait3A_293 = arith.constant 0 : i32
        %dma_wait3A_294 = tpu.memref_slice %arg2[%select_n3A, %add3A_245, %dma_wait3A_293] : memref<4x128x256xf32, #tpu.memory_space<hbm>> -> memref<1x1x256xf32, #tpu.memory_space<hbm>>
        %dma_wait3A_295 = tpu.memref_squeeze %dma_wait3A_294 : memref<1x1x256xf32, #tpu.memory_space<hbm>> -> memref<256xf32, #tpu.memory_space<hbm>>
        %dma_wait3A_296 = arith.constant 0 : i32
        %dma_wait3A_297 = tpu.memref_slice %arg2[%select_n3A, %add3A_245, %dma_wait3A_296] : memref<4x128x256xf32, #tpu.memory_space<hbm>> -> memref<1x1x256xf32, #tpu.memory_space<hbm>>
        %dma_wait3A_298 = tpu.memref_squeeze %dma_wait3A_297 : memref<1x1x256xf32, #tpu.memory_space<hbm>> -> memref<256xf32, #tpu.memory_space<hbm>>
        tpu.wait_dma2 semaphore(%run_scoped3A : memref<!tpu.dma_semaphore, #tpu.memory_space<semaphore_mem>>) src(%dma_wait3A_298 : memref<256xf32, #tpu.memory_space<hbm>>) dst(%arg8 : memref<256xf32, #tpu.memory_space<vmem>>)
        tpu.yield
      }) : () -> ()
      %get3A_246 = arith.constant 0 : index
      %get3A_247 = tpu.vector_load %arg8[%get3A_246] {strides = array<i32>} : memref<256xf32, #tpu.memory_space<vmem>>, vector<16xf32>,
      tpu.vector_store_idx %arg6[%get3A_45], %get3A_247 {add = true} : memref<32000xf32, #tpu.memory_space<vmem>>[vector<16xi32>], vector<16xf32>,
      %get3A_248 = arith.constant 16 : index
      %get3A_249 = tpu.vector_load %arg8[%get3A_248] {strides = array<i32>} : memref<256xf32, #tpu.memory_space<vmem>>, vector<16xf32>,
      tpu.vector_store_idx %arg6[%get3A_47], %get3A_249 {add = true} : memref<32000xf32, #tpu.memory_space<vmem>>[vector<16xi32>], vector<16xf32>,
      %get3A_250 = arith.constant 32 : index
      %get3A_251 = tpu.vector_load %arg8[%get3A_250] {strides = array<i32>} : memref<256xf32, #tpu.memory_space<vmem>>, vector<16xf32>,
      tpu.vector_store_idx %arg6[%get3A_49], %get3A_251 {add = true} : memref<32000xf32, #tpu.memory_space<vmem>>[vector<16xi32>], vector<16xf32>,
      %get3A_252 = arith.constant 48 : index
      %get3A_253 = tpu.vector_load %arg8[%get3A_252] {strides = array<i32>} : memref<256xf32, #tpu.memory_space<vmem>>, vector<16xf32>,
      tpu.vector_store_idx %arg6[%get3A_51], %get3A_253 {add = true} : memref<32000xf32, #tpu.memory_space<vmem>>[vector<16xi32>], vector<16xf32>,
      %get3A_254 = arith.constant 64 : index
      %get3A_255 = tpu.vector_load %arg8[%get3A_254] {strides = array<i32>} : memref<256xf32, #tpu.memory_space<vmem>>, vector<16xf32>,
      tpu.vector_store_idx %arg6[%get3A_53], %get3A_255 {add = true} : memref<32000xf32, #tpu.memory_space<vmem>>[vector<16xi32>], vector<16xf32>,
      %get3A_256 = arith.constant 80 : index
      %get3A_257 = tpu.vector_load %arg8[%get3A_256] {strides = array<i32>} : memref<256xf32, #tpu.memory_space<vmem>>, vector<16xf32>,
      tpu.vector_store_idx %arg6[%get3A_55], %get3A_257 {add = true} : memref<32000xf32, #tpu.memory_space<vmem>>[vector<16xi32>], vector<16xf32>,
      %get3A_258 = arith.constant 96 : index
      %get3A_259 = tpu.vector_load %arg8[%get3A_258] {strides = array<i32>} : memref<256xf32, #tpu.memory_space<vmem>>, vector<16xf32>,
      tpu.vector_store_idx %arg6[%get3A_57], %get3A_259 {add = true} : memref<32000xf32, #tpu.memory_space<vmem>>[vector<16xi32>], vector<16xf32>,
      %get3A_260 = arith.constant 112 : index
      %get3A_261 = tpu.vector_load %arg8[%get3A_260] {strides = array<i32>} : memref<256xf32, #tpu.memory_space<vmem>>, vector<16xf32>,
      tpu.vector_store_idx %arg6[%get3A_59], %get3A_261 {add = true} : memref<32000xf32, #tpu.memory_space<vmem>>[vector<16xi32>], vector<16xf32>,
      %get3A_262 = arith.constant 128 : index
      %get3A_263 = tpu.vector_load %arg8[%get3A_262] {strides = array<i32>} : memref<256xf32, #tpu.memory_space<vmem>>, vector<16xf32>,
      tpu.vector_store_idx %arg6[%get3A_61], %get3A_263 {add = true} : memref<32000xf32, #tpu.memory_space<vmem>>[vector<16xi32>], vector<16xf32>,
      %get3A_264 = arith.constant 144 : index
      %get3A_265 = tpu.vector_load %arg8[%get3A_264] {strides = array<i32>} : memref<256xf32, #tpu.memory_space<vmem>>, vector<16xf32>,
      tpu.vector_store_idx %arg6[%get3A_63], %get3A_265 {add = true} : memref<32000xf32, #tpu.memory_space<vmem>>[vector<16xi32>], vector<16xf32>,
      %get3A_266 = arith.constant 160 : index
      %get3A_267 = tpu.vector_load %arg8[%get3A_266] {strides = array<i32>} : memref<256xf32, #tpu.memory_space<vmem>>, vector<16xf32>,
      tpu.vector_store_idx %arg6[%get3A_65], %get3A_267 {add = true} : memref<32000xf32, #tpu.memory_space<vmem>>[vector<16xi32>], vector<16xf32>,
      %get3A_268 = arith.constant 176 : index
      %get3A_269 = tpu.vector_load %arg8[%get3A_268] {strides = array<i32>} : memref<256xf32, #tpu.memory_space<vmem>>, vector<16xf32>,
      tpu.vector_store_idx %arg6[%get3A_67], %get3A_269 {add = true} : memref<32000xf32, #tpu.memory_space<vmem>>[vector<16xi32>], vector<16xf32>,
      %get3A_270 = arith.constant 192 : index
      %get3A_271 = tpu.vector_load %arg8[%get3A_270] {strides = array<i32>} : memref<256xf32, #tpu.memory_space<vmem>>, vector<16xf32>,
      tpu.vector_store_idx %arg6[%get3A_69], %get3A_271 {add = true} : memref<32000xf32, #tpu.memory_space<vmem>>[vector<16xi32>], vector<16xf32>,
      %get3A_272 = arith.constant 208 : index
      %get3A_273 = tpu.vector_load %arg8[%get3A_272] {strides = array<i32>} : memref<256xf32, #tpu.memory_space<vmem>>, vector<16xf32>,
      tpu.vector_store_idx %arg6[%get3A_71], %get3A_273 {add = true} : memref<32000xf32, #tpu.memory_space<vmem>>[vector<16xi32>], vector<16xf32>,
      %get3A_274 = arith.constant 224 : index
      %get3A_275 = tpu.vector_load %arg8[%get3A_274] {strides = array<i32>} : memref<256xf32, #tpu.memory_space<vmem>>, vector<16xf32>,
      tpu.vector_store_idx %arg6[%get3A_73], %get3A_275 {add = true} : memref<32000xf32, #tpu.memory_space<vmem>>[vector<16xi32>], vector<16xf32>,
      %get3A_276 = arith.constant 240 : index
      %get3A_277 = tpu.vector_load %arg8[%get3A_276] {strides = array<i32>} : memref<256xf32, #tpu.memory_space<vmem>>, vector<16xf32>,
      tpu.vector_store_idx %arg6[%get3A_75], %get3A_277 {add = true} : memref<32000xf32, #tpu.memory_space<vmem>>[vector<16xi32>], vector<16xf32>,
      %add3A_278 = arith.constant 1 : i32
      %add3A_279 = arith.addi %add3A_191, %add3A_278 : i32
      %dma_start3A_280 = arith.constant 0 : i32
      %dma_start3A_281 = tpu.memref_slice %arg4[%select_n3A, %add3A_279, %dma_start3A_280] : memref<4x128x32000xf32, #tpu.memory_space<hbm>> -> memref<1x1x32000xf32, #tpu.memory_space<hbm>>
      %dma_start3A_282 = tpu.memref_squeeze %dma_start3A_281 : memref<1x1x32000xf32, #tpu.memory_space<hbm>> -> memref<32000xf32, #tpu.memory_space<hbm>>
      %dma_start3A_283 = arith.constant 0 : i32
      %dma_start3A_284 = tpu.memref_slice %arg4[%select_n3A, %add3A_279, %dma_start3A_283] : memref<4x128x32000xf32, #tpu.memory_space<hbm>> -> memref<1x1x32000xf32, #tpu.memory_space<hbm>>
      %dma_start3A_285 = tpu.memref_squeeze %dma_start3A_284 : memref<1x1x32000xf32, #tpu.memory_space<hbm>> -> memref<32000xf32, #tpu.memory_space<hbm>>
      tpu.enqueue_dma source(%arg6 : memref<32000xf32, #tpu.memory_space<vmem>>) target(%dma_start3A_285 : memref<32000xf32, #tpu.memory_space<hbm>>) target_semaphore(%arg11 : memref<!tpu.dma_semaphore, #tpu.memory_space<semaphore_mem>>)
      %scan3A_286 = arith.constant 0 : i32
      scf.yield %scan3A_286 : i32
    }
    %scan3A_174 = arith.constant 7 : i32
    %dma_wait3A_175 = arith.constant 0 : i32
    %dma_wait3A_176 = tpu.memref_slice %arg4[%select_n3A, %select_n3A_32, %dma_wait3A_175] : memref<4x128x32000xf32, #tpu.memory_space<hbm>> -> memref<1x1x32000xf32, #tpu.memory_space<hbm>>
    %dma_wait3A_177 = tpu.memref_squeeze %dma_wait3A_176 : memref<1x1x32000xf32, #tpu.memory_space<hbm>> -> memref<32000xf32, #tpu.memory_space<hbm>>
    %dma_wait3A_178 = arith.constant 0 : i32
    %dma_wait3A_179 = tpu.memref_slice %arg4[%select_n3A, %select_n3A_32, %dma_wait3A_178] : memref<4x128x32000xf32, #tpu.memory_space<hbm>> -> memref<1x1x32000xf32, #tpu.memory_space<hbm>>
    %dma_wait3A_180 = tpu.memref_squeeze %dma_wait3A_179 : memref<1x1x32000xf32, #tpu.memory_space<hbm>> -> memref<32000xf32, #tpu.memory_space<hbm>>
    tpu.wait_dma2 semaphore(%arg10 : memref<!tpu.dma_semaphore, #tpu.memory_space<semaphore_mem>>) src(%arg5 : memref<32000xf32, #tpu.memory_space<vmem>>) dst(%dma_wait3A_180 : memref<32000xf32, #tpu.memory_space<hbm>>)
    %dma_wait3A_181 = arith.constant 0 : i32
    %dma_wait3A_182 = tpu.memref_slice %arg4[%select_n3A, %select_n3A_32, %dma_wait3A_181] : memref<4x128x32000xf32, #tpu.memory_space<hbm>> -> memref<1x1x32000xf32, #tpu.memory_space<hbm>>
    %dma_wait3A_183 = tpu.memref_squeeze %dma_wait3A_182 : memref<1x1x32000xf32, #tpu.memory_space<hbm>> -> memref<32000xf32, #tpu.memory_space<hbm>>
    %dma_wait3A_184 = arith.constant 0 : i32
    %dma_wait3A_185 = tpu.memref_slice %arg4[%select_n3A, %select_n3A_32, %dma_wait3A_184] : memref<4x128x32000xf32, #tpu.memory_space<hbm>> -> memref<1x1x32000xf32, #tpu.memory_space<hbm>>
    %dma_wait3A_186 = tpu.memref_squeeze %dma_wait3A_185 : memref<1x1x32000xf32, #tpu.memory_space<hbm>> -> memref<32000xf32, #tpu.memory_space<hbm>>
    tpu.wait_dma2 semaphore(%arg11 : memref<!tpu.dma_semaphore, #tpu.memory_space<semaphore_mem>>) src(%arg6 : memref<32000xf32, #tpu.memory_space<vmem>>) dst(%dma_wait3A_186 : memref<32000xf32, #tpu.memory_space<hbm>>)
    return
  }
}

</mosaic_0001>

<sc_bundles>
// kernel: kernel.3.cloned.1.call-start
scs
__scs_entry_jumppad:
0x0: {  	(pc) =	sbr.rel $0x88, $3  }
0x1: {  	(tag) =	ssettag $0x0;
	lr =	simm.s32 $0x1  }
0x2: {  	[smem:$0x3F9F] =	sst lr;
	_ =	strace $0xD0000000  }
0x3: {  	_ = 	snop  }
0x4: {  	_ = 	snop  }
0x5: {  	_ = 	snop  }
0x6: {  	_ = 	snop  }
0x7: {  	_ = 	snop  }
__scs_overlays_trampoline_lowered:
0x8: {  	[smem:$0x3FAE] =	sst s0  }
0x9: {  	[smem:$0x3FAF] =	sst s1  }
0xa: {  	[smem:$0x3FB0] =	sst s2  }
0xb: {  	[smem:$0x3FB1] =	sst s3  }
0xc: {  	[smem:$0x3FB2] =	sst s4  }
0xd: {  	[smem:$0x3FB3] =	sst s5  }
0xe: {  	[smem:$0x3FB4] =	sst s6  }
0xf: {  	[smem:$0x3FB5] =	sst s7  }
0x10: {  	[smem:$0x3FB6] =	sst s8  }
0x11: {  	[smem:$0x3FB7] =	sst s9;
	s0 =	simm.s32 @!p0 $0x0  }
0x12: {  	s1 =	sld [smem:$0x3F9D];
	s0 =	simm.s32 @p0 $0x1  }
0x13: {  	[smem:$0x3FB8] =	sst s0;
	s0 =	simm.s32 @!p1 $0x0  }
0x14: {  	s2 =	sld [smem:$0x3F9C];
	s0 =	simm.s32 @p1 $0x1  }
0x15: {  	[smem:$0x3FB9] =	sst s0;
	s0 =	simm.s32 @!p2 $0x0  }
0x16: {  	s3 =	sld [smem:$0x3FDB];
	s0 =	simm.s32 @p2 $0x1  }
0x17: {  	s4 =	simm.s32 $0x1BF5;
	[smem:$0x3FBB] =	sst s0  }
0x18: {  	s0 =	sld [smem:$0x3F9E];
	_ =	swait.ge [sflag:s4], $0x0  }
0x19: {  	s7 =	sld [smem:$0x3F9F]  }
0x1a: {  	s8 =	sadd.s32 $0xFFFFE003, lr  }
0x1b: {  	s9 =	sadd.s32 $0xFFFFFEF7, lr;
	s5 =	simm.s32 $0xFFFFFFFF;
	p2 =	slt.u32 s8, $0xFFFFF086  }
0x1c: {  	p1 =	slt.u32 s9, $0xF7A;
	s5 =	simm.s32 @!p2 $0x0  }
0x1d: {  	s5 =	simm.s32 @p1 $0x1;
	p0 =	seq.s32 s7, s2  }
0x1e: {  	s7 =	smul.u32 @!p0 $0xF7A, s2;
	p2 =	seq.s32 @!p0 s5, $0x0  }
0x1f: {  	s9 =	smul.u32 $0xF7A, s1;
	s8 =	simm.s32 @!p0 $0x1BF5;
	p2 =	por !p2, p0  }
0x20: {  	[sflag:s8] =	ssyncset.s32 @!p0 $0xFFFFF086;
	s6 =	sadd.s32 @!p0 s3, s7;
	s7 =	simm.s32 @!p0 $0x108  }
0x21: {  	s3 =	sadd.s32 s3, s9;
	s6 =	sadd.s32 @!p0 $0x88, s6;
	s7 =	simm.s32 @p2 $0x1082  }
0x22: {  	[simem:s7], [sflag:s8] =	dma.local @!p0 [hbm:s6], $0xF7A  }
0x23: {  	s9 =	sor.u32 $0xD0000000, s2;
	s6 =	simm.s32 $0x108;
	_ =	swait.ge @!p0 [sflag:s8], $0x0  }
0x24: {  	s3 =	sadd.s32 $0x88, s3;
	s6 =	simm.s32 @!p1 $0x1082;
	[sflag:s4] =	ssyncset.s32 $0xFFFFF086  }
0x25: {  	[simem:s6], [sflag:s4] =	dma.local [hbm:s3], $0xF7A  }
0x26: {  	[smem:$0x3F9F] =	sst s1;
	(tag) =	ssettag s2;
	_ =	strace s9  }
0x27: {  	s1 =	sld [smem:$0x3FAF]  }
0x28: {  	s2 =	sld [smem:$0x3FB0]  }
0x29: {  	s4 =	sld [smem:$0x3FB2]  }
0x2a: {  	p0 =	seq.s32 s5, $0x0;
	s5 =	sld [smem:$0x3FB3]  }
0x2b: {  	s6 =	sld [smem:$0x3FB4]  }
0x2c: {  	s7 =	sld [smem:$0x3FB5]  }
0x2d: {  	s3 =	simm.s32 $0x108;
	s8 =	sld [smem:$0x3FB6]  }
0x2e: {  	s3 =	simm.s32 @!p0 $0x1082;
	s9 =	sld [smem:$0x3FB7]  }
0x2f: {  	lr =	sadd.s32 s0, s3;
	s0 =	sld [smem:$0x3FAE]  }
0x30: {  	s3 =	sld [smem:$0x3FB1]  }
0x31: {  	[smem:$0x3FBA] =	sst s10  }
0x32: {  	s10 =	sld [smem:$0x3FB8];
	_ =	sdelay $0x3  }
0x33: {  	p0 =	seq.s32 s10, $0x1;
	s10 =	sld [smem:$0x3FBA];
	_ =	sdelay $0x3  }
0x34: {  	[smem:$0x3FBA] =	sst s10  }
0x35: {  	s10 =	sld [smem:$0x3FB9];
	_ =	sdelay $0x3  }
0x36: {  	p1 =	seq.s32 s10, $0x1;
	s10 =	sld [smem:$0x3FBA];
	_ =	sdelay $0x3  }
0x37: {  	[smem:$0x3FBA] =	sst s10  }
0x38: {  	s10 =	sld [smem:$0x3FBB]  }
0x39: {  	_ = 	snop;
	(pc) =	sbr.ind lr, $3  }
0x3a: {  	_ = 	snop  }
0x3b: {  	_ = 	snop  }
0x3c: {  	p2 =	seq.s32 s10, $0x1;
	s10 =	sld [smem:$0x3FBA]  }
0x3d: {  	_ =	shalt  }
0x3e: {  	_ =	shalt  }
0x3f: {  	_ =	shalt  }
0x40: {  	_ =	shalt  }
0x41: {  	_ =	shalt  }
0x42: {  	_ =	shalt  }
0x43: {  	_ =	shalt  }
0x44: {  	_ =	shalt  }
0x45: {  	_ =	shalt  }
0x46: {  	_ =	shalt  }
0x47: {  	_ =	shalt  }
0x48: {  	_ =	shalt  }
0x49: {  	_ =	shalt  }
0x4a: {  	_ =	shalt  }
0x4b: {  	_ =	shalt  }
0x4c: {  	_ =	shalt  }
0x4d: {  	_ =	shalt  }
0x4e: {  	_ =	shalt  }
0x4f: {  	_ =	shalt  }
0x50: {  	_ =	shalt  }
0x51: {  	_ =	shalt  }
0x52: {  	_ =	shalt  }
0x53: {  	_ =	shalt  }
0x54: {  	_ =	shalt  }
0x55: {  	_ =	shalt  }
0x56: {  	_ =	shalt  }
0x57: {  	_ =	shalt  }
0x58: {  	_ =	shalt  }
0x59: {  	_ =	shalt  }
0x5a: {  	_ =	shalt  }
0x5b: {  	_ =	shalt  }
0x5c: {  	_ =	shalt  }
0x5d: {  	_ =	shalt  }
0x5e: {  	_ =	shalt  }
0x5f: {  	_ =	shalt  }
0x60: {  	_ =	shalt  }
0x61: {  	_ =	shalt  }
0x62: {  	_ =	shalt  }
0x63: {  	_ =	shalt  }
0x64: {  	_ =	shalt  }
0x65: {  	_ =	shalt  }
0x66: {  	_ =	shalt  }
0x67: {  	_ =	shalt  }
0x68: {  	_ =	shalt  }
0x69: {  	_ =	shalt  }
0x6a: {  	_ =	shalt  }
0x6b: {  	_ =	shalt  }
0x6c: {  	_ =	shalt  }
0x6d: {  	_ =	shalt  }
0x6e: {  	_ =	shalt  }
0x6f: {  	_ =	shalt  }
0x70: {  	_ =	shalt  }
0x71: {  	_ =	shalt  }
0x72: {  	_ =	shalt  }
0x73: {  	_ =	shalt  }
0x74: {  	_ =	shalt  }
0x75: {  	_ =	shalt  }
0x76: {  	_ =	shalt  }
0x77: {  	_ =	shalt  }
0x78: {  	_ =	shalt  }
0x79: {  	_ =	shalt  }
0x7a: {  	_ =	shalt  }
0x7b: {  	_ =	shalt  }
0x7c: {  	_ =	shalt  }
0x7d: {  	_ =	shalt  }
0x7e: {  	_ =	shalt  }
0x7f: {  	_ =	shalt  }
0x80: {  	_ =	shalt  }
0x81: {  	_ =	shalt  }
0x82: {  	_ =	shalt  }
0x83: {  	_ =	shalt  }
0x84: {  	_ =	shalt  }
0x85: {  	_ =	shalt  }
0x86: {  	_ =	shalt  }
0x87: {  	_ =	shalt  }
.Lfunc_end0:
.L_simem_size_0:
called_computation_lowered:
.L_overlay_start_0:
0x88: {  	s2 =	sld [smem:$0x3FD9]  }
0x89: {  	s3 =	sld [smem:$0x3FFE];
	_ =	sdelay $0x1  }
0x8a: {  	s1 =	srdreg.scid  }
0x8b: {  	s0 =	sand.u32 $0x1, s1  }
0x8c: {  	s18 =	sshll.u32 s0, $0xA;
	s2 =	sadd.s32 s3, s2  }
0x8d: {  	s2 =	sadd.s32 s2, s18  }
0x8e: {  	[smem:$0x3FC6] =	sst s2  }
0x8f: {  	_ = 	snop  }
0x90: {  	s2 =	sld [smem:$0x3FC9]  }
0x91: {  	s19 =	sld [smem:$0x3FC8]  }
0x92: {  	s4 =	sld [smem:$0x3FD0];
	(tm) =	ssettm $0x1  }
0x93: {  	s5 =	sld [smem:$0x3FFB];
	_ =	sdelay $0x3  }
0x94: {  	_ =	strace s5  }
0x95: {  	s5 =	sld [smem:$0x3FFC];
	_ =	sdelay $0x3  }
0x96: {  	_ =	strace s5  }
0x97: {  	s5 =	sld [smem:$0x3FFD];
	_ =	sdelay $0x3  }
0x98: {  	_ =	strace s5  }
0x99: {  	_ =	strace $0x8FFFFFFF  }
0x9a: {  	s20 =	sld [smem:$0x3FDB];
	_ =	sdelay $0x1  }
0x9b: {  	s6 =	simm.s32 $_scs_section_size  }
0x9c: {  	s7 =	simm.s32 $_size__tile_overlayer_lowered;
	s8 =	simm.s32 $_tile_overlayer_lowered  }
0x9d: {  	s23 =	simm.s32 $0x1BFF;
	s22 =	sshll.u32 s8, $0x1;
	s5 =	sadd.s32 s6, s20  }
0x9e: {  	s9 =	simm.s32 $0x0;
	s21 =	sshll.u32 s7, $0x1;
	s7 =	sadd.s32 s22, s5  }
0x9f: {  	[timem:s9], [sflag:s23] =	dma.local [hbm:s7], s21  }
0xa0: {  	_ =	swait.ge [sflag:s23], s21  }
0xa1: {  	s6 =	ssub.s32 $0x0, s21;
	[sflag:s23] =	ssyncset.done $0x0  }
0xa2: {  	[sflag:s23] =	ssyncadd.s32 s6;
	_ =	sdelay $0x1  }
0xa3: {  	s24 =	simm.s32 $0x1B8B  }
0xa4: {  	_ =	swait.ge [sflag:s24], $0x1  }
0xa5: {  	[sflag:s24] =	ssyncset.done $0x0  }
0xa6: {  	s25 =	simm.s32 $0x1B8E;
	[sflag:s24] =	ssyncadd.s32 $0xFFFFFFFF  }
0xa7: {  	s26 =	simm.s32 $execute0_lowered;
	[smem:$0x3FD2] =	sst s25  }
0xa8: {  	s6 =	sshll.u32 s26, $0x1;
	_ =	strace $0x80000046;
	[dreg:$0x1] =	wrdreg $0xFFFFFFFF  }
0xa9: {  	s28 =	simm.s32 $_size_execute0_lowered;
	s5 =	sadd.s32 s5, s6;
	[dreg:$0x0] =	wrdreg $0x0  }
0xaa: {  	s6 =	sshll.u32 s28, $0x1;
	[dreg:$0x2] =	wrdreg s5  }
0xab: {  	[dreg:$0x3] =	wrdreg s6  }
0xac: {  	[dreg:$0x4] =	wrdreg $0xC0  }
0xad: {  	_ =	task [dreg:s9], $0x5FFFF  }
0xae: {  	[dreg:$0x1] =	wrdreg $0xFFFFFFFF  }
0xaf: {  	[dreg:$0x0] =	wrdreg $0x60  }
0xb0: {  	[dreg:$0x2] =	wrdreg s2  }
0xb1: {  	[dreg:$0x3] =	wrdreg s19  }
0xb2: {  	[dreg:$0x4] =	wrdreg s4  }
0xb3: {  	[dreg:$0x5] =	wrdreg $0x9  }
0xb4: {  	_ =	task.clear_ibuf [dreg:s9], $0x6FFFF;
	_ =	strace $0x90000046  }
0xb5: {  	s29 =	simm.s32 $0x9;
	_ =	strace $0x80000048  }
0xb6: {  	_ =	swait.ge [sflag:s29], $0x1  }
0xb7: {  	[sflag:s29] =	ssyncadd.s32 $0xFFFFFFFF  }
0xb8: {  	_ =	strace $0x90000048  }
0xb9: {  	_ =	sfence  }
0xba: {  	s30 =	sld [smem:$0x0];
	_ =	sdelay $0x2  }
0xbb: {  	s31 =	sshll.u32 s1, $0xD;
	s1 =	sshrl.u32 s1, $0x2  }
0xbc: {  	s3 =	sand.u32 $0x4000, s31;
	s1 =	sadd.s32 s1, s30  }
0xbd: {  	s0 =	sor.u32 s3, s0;
	s1 =	sshll.u32 s1, $0x11  }
0xbe: {  	s0 =	sor.u32 s1, s0  }
0xbf: {  	s0 =	sadd.s32 $0x8F2B, s0  }
0xc0: {  	[sflag:s0] =	ssyncadd.remote.s32 $0x1  }
0xc1: {  	_ =	sfence.sel $0xFFFF  }
0xc2: {  	[dreg:$0x0] =	wrdreg $0xFFFFFFFF;
	(pc) =	sbr.abs _section_cstart, $3  }
0xc3: {  	[dreg:$0x1] =	wrdreg $0xFFFFFFFF  }
0xc4: {  	_ =	task.clear_ibuf [dreg:s9], $0x2FFFF;
	_ =	strace $0x9FFFFFFF  }
0xc5: {  	(tm) =	ssettm $0x7FFFFFFF  }
tec
execute0_lowered:
.L_overlay_start_1:
0x0: {  	(tag) =	ssettag $0x1  }
0x1: {  	s1 =	rddreg [dreg:$0x0]  }
0x2: {  	s8 =	rddreg [dreg:$0x1]  }
0x3: {  	s3 =	rddreg [dreg:$0x2];
	s5 =	srdreg.scid  }
0x4: {  	s0 =	stileid.u32;
	s4 =	simm.s32 $0x0;
	s14 =	simm.s32 $0x80  }
0x5: {  	s16 =	simm.s32 $0xFC00;
	s17 =	simm.s32 $0x4;
	s18 =	simm.s32 $0x400  }
0x6: {  	s19 =	simm.s32 $0xFA00;
	s20 =	simm.s32 $0x3;
	s21 =	simm.s32 $0xFB00  }
0x7: {  	s22 =	simm.s32 $0x7D00;
	s23 =	simm.s32 $0x1;
	s24 =	simm.s32 $0x2  }
0x8: {  	s25 =	simm.s32 $0x0;
	s5 =	sand.u32 $0x1, s5;
	s6 =	sshll.u32 s0, $0x5  }
0x9: {  	[smem:$0x7FF] =	sst s4;
	s7 =	sshll.u32 s5, $0x4;
	s6 =	sand.u32 $0x60, s6  }
0xa: {  	s10 =	sshrl.u32 s0, $0x2;
	s30 =	sshll.u32 s0, $0x2;
	s13 =	sor.u32 s7, s6  }
0xb: {  	s9 =	ssub.s32 $0x2, s5;
	s5 =	smul.u32 $0x3E8000, s10;
	s11 =	sshrl.u32 s13, $0x3  }
0xc: {  	_ =	strace $0x80000047;
	s26 =	sshrl.u32 s9, $0x1;
	s11 =	smul.u32 $0x3E800, s11  }
0xd: {  	s6 =	sshll.u32 s10, $0xF;
	s28 =	sshll.u32 s13, $0x8;
	s12 =	ssub.s32 s9, s26  }
0xe: {  	s9 =	sand.u32 $0x30, s30;
	s29 =	sor.u32 s6, s28;
	s31 =	sadd.s32 s5, s11  }
0xf: {  	s13 =	sor.u32 $0x2, s13;
	s7 =	sshrl.u32 s29, $0x3;
	s10 =	sshrl.u32 s31, $0x3  }
0x10: {  	s8 =	sadd.s32 s8, s9;
	s7 =	sadd.s32 s1, s7;
	s9 =	sadd.s32 s3, s10  }
0x11: {  	v0 =	vimm.f32 $0.0e+00;
	s12 =	smax.u32 s12, $0x1;
	s10 =	sadd.s32 $0x10, s7;
	s11 =	sadd.s32 $0x10, s9  }
.LBB2_1:
0x12: {  	s0 =	simm.s32 $0x200  }
0x13: {  	[tilespmem:s16], [sflag:$0x4] =	stream.strided.gather [hbm4b:s8+s14], $0x100, s0, s14, $0x38;
	[tilespmem:$0xFD00] =	vst v63  }
0x14: {  	_ =	swait.ge [sflag:s17], $0x100  }
0x15: {  	[sflag:s17] =	ssyncset.done $0x0  }
0x16: {  	s28 =	simm.s32 $0x100;
	s26 =	simm.s32 $0x0;
	[sflag:s17] =	ssyncadd.s32 $0xFFFFFF00  }
0x17: {  	[tilespmem:s19], [sflag:$0x3] =	stream.strided.gather [hbm4b:s7+s14], $0x100, s18, s14, $0x38;
	[tilespmem:$0xFD00] =	vst v63  }
.LBB2_2:
0x18: {  	p0 =	sne.s32 s28, $0x1F300;
	[tilespmem:s26+$0x30] =	vst v0;
	s29 =	smov.u32 s28;
	s28 =	sadd.s32 $0x100, s28  }
.Ltmp0:
0x19: {  	[tilespmem:s26+$0x20] =	vst v0;
	(pc) =	sbr.rel @p0 .LBB2_2-.Ltmp0, $3  }
0x1a: {  	[tilespmem:s26+$0x0] =	vst v0  }
0x1b: {  	[tilespmem:s26+$0x10] =	vst v0;
	_ =	sdelay $0x1  }
0x1c: {  	s26 =	sshra.s32 s29, $0x2  }
0x1d: {  	[tilespmem:s26+$0x30] =	vst v0  }
0x1e: {  	[tilespmem:s26+$0x20] =	vst v0  }
0x1f: {  	[tilespmem:s26+$0x0] =	vst v0  }
0x20: {  	[tilespmem:s26+$0x10] =	vst v0  }
0x21: {  	v1 =	vld [tilespmem:$0xFC00]  }
0x22: {  	v2 =	vld [tilespmem:$0xFC10]  }
0x23: {  	v3 =	vld [tilespmem:$0xFC20]  }
0x24: {  	v4 =	vld [tilespmem:$0xFC30]  }
0x25: {  	v5 =	vld [tilespmem:$0xFC40]  }
0x26: {  	v6 =	vld [tilespmem:$0xFC50]  }
0x27: {  	v7 =	vld [tilespmem:$0xFC60]  }
0x28: {  	v8 =	vld [tilespmem:$0xFC70]  }
0x29: {  	v9 =	vld [tilespmem:$0xFC80]  }
0x2a: {  	v10 =	vld [tilespmem:$0xFC90]  }
0x2b: {  	v11 =	vld [tilespmem:$0xFCA0]  }
0x2c: {  	v12 =	vld [tilespmem:$0xFCB0]  }
0x2d: {  	v13 =	vld [tilespmem:$0xFCC0]  }
0x2e: {  	v14 =	vld [tilespmem:$0xFCD0]  }
0x2f: {  	v15 =	vld [tilespmem:$0xFCE0]  }
0x30: {  	v16 =	vld [tilespmem:$0xFCF0];
	_ =	swait.ge [sflag:s20], $0x100  }
0x31: {  	[sflag:s20] =	ssyncset.done $0x0  }
0x32: {  	[sflag:s20] =	ssyncadd.s32 $0xFFFFFF00  }
0x33: {  	v17 =	vld [tilespmem:$0xFA00];
	_ =	sdelay $0x3  }
0x34: {  	s31 =	simm.s32 $0x0  }
0x35: {  	[tilespmem:v1+s31+$0x0] =	vst.idx.add.f32.msk $0xffff, v17  }
0x36: {  	v17 =	vld [tilespmem:$0xFA10];
	_ =	sdelay $0x4  }
0x37: {  	[tilespmem:v2+s31+$0x0] =	vst.idx.add.f32.msk $0xffff, v17  }
0x38: {  	v17 =	vld [tilespmem:$0xFA20];
	_ =	sdelay $0x4  }
0x39: {  	[tilespmem:v3+s31+$0x0] =	vst.idx.add.f32.msk $0xffff, v17  }
0x3a: {  	v17 =	vld [tilespmem:$0xFA30];
	_ =	sdelay $0x4  }
0x3b: {  	[tilespmem:v4+s31+$0x0] =	vst.idx.add.f32.msk $0xffff, v17  }
0x3c: {  	v17 =	vld [tilespmem:$0xFA40];
	_ =	sdelay $0x4  }
0x3d: {  	[tilespmem:v5+s31+$0x0] =	vst.idx.add.f32.msk $0xffff, v17  }
0x3e: {  	v17 =	vld [tilespmem:$0xFA50];
	_ =	sdelay $0x4  }
0x3f: {  	[tilespmem:v6+s31+$0x0] =	vst.idx.add.f32.msk $0xffff, v17  }
0x40: {  	v17 =	vld [tilespmem:$0xFA60];
	_ =	sdelay $0x4  }
0x41: {  	[tilespmem:v7+s31+$0x0] =	vst.idx.add.f32.msk $0xffff, v17  }
0x42: {  	v17 =	vld [tilespmem:$0xFA70];
	_ =	sdelay $0x4  }
0x43: {  	[tilespmem:v8+s31+$0x0] =	vst.idx.add.f32.msk $0xffff, v17  }
0x44: {  	v17 =	vld [tilespmem:$0xFA80];
	_ =	sdelay $0x4  }
0x45: {  	[tilespmem:v9+s31+$0x0] =	vst.idx.add.f32.msk $0xffff, v17  }
0x46: {  	v17 =	vld [tilespmem:$0xFA90];
	_ =	sdelay $0x4  }
0x47: {  	[tilespmem:v10+s31+$0x0] =	vst.idx.add.f32.msk $0xffff, v17  }
0x48: {  	v17 =	vld [tilespmem:$0xFAA0];
	_ =	sdelay $0x4  }
0x49: {  	[tilespmem:v11+s31+$0x0] =	vst.idx.add.f32.msk $0xffff, v17  }
0x4a: {  	v17 =	vld [tilespmem:$0xFAB0];
	_ =	sdelay $0x4  }
0x4b: {  	[tilespmem:v12+s31+$0x0] =	vst.idx.add.f32.msk $0xffff, v17  }
0x4c: {  	v17 =	vld [tilespmem:$0xFAC0];
	_ =	sdelay $0x4  }
0x4d: {  	[tilespmem:v13+s31+$0x0] =	vst.idx.add.f32.msk $0xffff, v17  }
0x4e: {  	v17 =	vld [tilespmem:$0xFAD0];
	_ =	sdelay $0x4  }
0x4f: {  	[tilespmem:v14+s31+$0x0] =	vst.idx.add.f32.msk $0xffff, v17  }
0x50: {  	v17 =	vld [tilespmem:$0xFAE0];
	_ =	sdelay $0x4  }
0x51: {  	[tilespmem:v15+s31+$0x0] =	vst.idx.add.f32.msk $0xffff, v17  }
0x52: {  	v17 =	vld [tilespmem:$0xFAF0];
	_ =	sdelay $0x4  }
0x53: {  	s28 =	simm.s32 $0x100;
	s26 =	simm.s32 $0x0;
	[tilespmem:v16+s31+$0x0] =	vst.idx.add.f32.msk $0xffff, v17  }
0x54: {  	[hbm4b:s9+s14] =	stream.strided.scatter [tilespmem:s31], [sflag:$0x1], $0x7D00, s18, s14, $0x38;
	[tilespmem:$0xFD00] =	vst v63  }
.LBB2_4:
0x55: {  	p0 =	sne.s32 s28, $0x1F300;
	[tilespmem:s26+$0x7D30] =	vst v0;
	s29 =	smov.u32 s28;
	s28 =	sadd.s32 $0x100, s28  }
.Ltmp1:
0x56: {  	[tilespmem:s26+$0x7D20] =	vst v0;
	(pc) =	sbr.rel @p0 .LBB2_4-.Ltmp1, $3  }
0x57: {  	[tilespmem:s26+$0x7D00] =	vst v0  }
0x58: {  	[tilespmem:s26+$0x7D10] =	vst v0;
	_ =	sdelay $0x1  }
0x59: {  	s26 =	sshra.s32 s29, $0x2  }
0x5a: {  	[tilespmem:s26+$0x7D30] =	vst v0  }
0x5b: {  	[tilespmem:s26+$0x7D20] =	vst v0  }
0x5c: {  	[tilespmem:s26+$0x7D00] =	vst v0  }
0x5d: {  	[tilespmem:s26+$0x7D10] =	vst v0  }
0x5e: {  	[tilespmem:s21], [sflag:$0x4] =	stream.strided.gather [hbm4b:s10+s14], $0x100, s18, s14, $0x38;
	[tilespmem:$0xFD00] =	vst v63  }
0x5f: {  	_ =	swait.ge [sflag:s17], $0x100  }
0x60: {  	[sflag:s17] =	ssyncset.done $0x0  }
0x61: {  	[sflag:s17] =	ssyncadd.s32 $0xFFFFFF00  }
0x62: {  	v17 =	vld [tilespmem:$0xFB00];
	_ =	sdelay $0x4  }
0x63: {  	[tilespmem:v1+s22+$0x0] =	vst.idx.add.f32.msk $0xffff, v17  }
0x64: {  	v17 =	vld [tilespmem:$0xFB10];
	_ =	sdelay $0x4  }
0x65: {  	[tilespmem:v2+s22+$0x0] =	vst.idx.add.f32.msk $0xffff, v17  }
0x66: {  	v17 =	vld [tilespmem:$0xFB20];
	_ =	sdelay $0x4  }
0x67: {  	[tilespmem:v3+s22+$0x0] =	vst.idx.add.f32.msk $0xffff, v17  }
0x68: {  	v17 =	vld [tilespmem:$0xFB30];
	_ =	sdelay $0x4  }
0x69: {  	[tilespmem:v4+s22+$0x0] =	vst.idx.add.f32.msk $0xffff, v17  }
0x6a: {  	v17 =	vld [tilespmem:$0xFB40];
	_ =	sdelay $0x4  }
0x6b: {  	[tilespmem:v5+s22+$0x0] =	vst.idx.add.f32.msk $0xffff, v17  }
0x6c: {  	v17 =	vld [tilespmem:$0xFB50];
	_ =	sdelay $0x4  }
0x6d: {  	[tilespmem:v6+s22+$0x0] =	vst.idx.add.f32.msk $0xffff, v17  }
0x6e: {  	v17 =	vld [tilespmem:$0xFB60];
	_ =	sdelay $0x4  }
0x6f: {  	[tilespmem:v7+s22+$0x0] =	vst.idx.add.f32.msk $0xffff, v17  }
0x70: {  	v17 =	vld [tilespmem:$0xFB70];
	_ =	sdelay $0x4  }
0x71: {  	[tilespmem:v8+s22+$0x0] =	vst.idx.add.f32.msk $0xffff, v17  }
0x72: {  	v17 =	vld [tilespmem:$0xFB80];
	_ =	sdelay $0x4  }
0x73: {  	[tilespmem:v9+s22+$0x0] =	vst.idx.add.f32.msk $0xffff, v17  }
0x74: {  	v17 =	vld [tilespmem:$0xFB90];
	_ =	sdelay $0x4  }
0x75: {  	[tilespmem:v10+s22+$0x0] =	vst.idx.add.f32.msk $0xffff, v17  }
0x76: {  	v17 =	vld [tilespmem:$0xFBA0];
	_ =	sdelay $0x4  }
0x77: {  	[tilespmem:v11+s22+$0x0] =	vst.idx.add.f32.msk $0xffff, v17  }
0x78: {  	v17 =	vld [tilespmem:$0xFBB0];
	_ =	sdelay $0x4  }
0x79: {  	[tilespmem:v12+s22+$0x0] =	vst.idx.add.f32.msk $0xffff, v17  }
0x7a: {  	v17 =	vld [tilespmem:$0xFBC0];
	_ =	sdelay $0x4  }
0x7b: {  	[tilespmem:v13+s22+$0x0] =	vst.idx.add.f32.msk $0xffff, v17  }
0x7c: {  	v17 =	vld [tilespmem:$0xFBD0];
	_ =	sdelay $0x4  }
0x7d: {  	[tilespmem:v14+s22+$0x0] =	vst.idx.add.f32.msk $0xffff, v17  }
0x7e: {  	v17 =	vld [tilespmem:$0xFBE0];
	_ =	sdelay $0x4  }
0x7f: {  	[tilespmem:v15+s22+$0x0] =	vst.idx.add.f32.msk $0xffff, v17  }
0x80: {  	v17 =	vld [tilespmem:$0xFBF0];
	_ =	sdelay $0x4  }
0x81: {  	[tilespmem:v16+s22+$0x0] =	vst.idx.add.f32.msk $0xffff, v17  }
0x82: {  	[hbm4b:s11+s14] =	stream.strided.scatter [tilespmem:s22], [sflag:$0x2], $0x7D00, s18, s14, $0x38;
	[tilespmem:$0xFD00] =	vst v63  }
0x83: {  	_ =	swait.ge [sflag:s23], $0x7D00  }
0x84: {  	[sflag:s23] =	ssyncset.done $0x0  }
0x85: {  	[sflag:s23] =	ssyncadd.s32 $0xFFFF8300  }
0x86: {  	[tilespmem:v1+s4+$0x0] =	vst.idx.msk $0xffff, v0  }
0x87: {  	[tilespmem:v2+s4+$0x0] =	vst.idx.msk $0xffff, v0  }
0x88: {  	[tilespmem:v3+s4+$0x0] =	vst.idx.msk $0xffff, v0  }
0x89: {  	[tilespmem:v4+s4+$0x0] =	vst.idx.msk $0xffff, v0  }
0x8a: {  	[tilespmem:v5+s4+$0x0] =	vst.idx.msk $0xffff, v0  }
0x8b: {  	[tilespmem:v6+s4+$0x0] =	vst.idx.msk $0xffff, v0  }
0x8c: {  	[tilespmem:v7+s4+$0x0] =	vst.idx.msk $0xffff, v0  }
0x8d: {  	[tilespmem:v8+s4+$0x0] =	vst.idx.msk $0xffff, v0  }
0x8e: {  	[tilespmem:v9+s4+$0x0] =	vst.idx.msk $0xffff, v0  }
0x8f: {  	[tilespmem:v10+s4+$0x0] =	vst.idx.msk $0xffff, v0  }
0x90: {  	s29 =	sshrl.u32 s13, $0x3;
	[tilespmem:v11+s4+$0x0] =	vst.idx.msk $0xffff, v0  }
0x91: {  	s30 =	simm.s32 $0x100;
	s28 =	sshll.u32 s29, $0xB;
	[tilespmem:v12+s4+$0x0] =	vst.idx.msk $0xffff, v0  }
0x92: {  	s26 =	sand.u32 $0x300, s30;
	s28 =	sadd.s32 s6, s28;
	[tilespmem:v13+s4+$0x0] =	vst.idx.msk $0xffff, v0  }
0x93: {  	s30 =	sor.u32 s26, s28;
	[tilespmem:v14+s4+$0x0] =	vst.idx.msk $0xffff, v0  }
0x94: {  	s30 =	sshrl.u32 s30, $0x3;
	[tilespmem:v15+s4+$0x0] =	vst.idx.msk $0xffff, v0  }
0x95: {  	s30 =	sadd.s32 s1, s30;
	[tilespmem:v16+s4+$0x0] =	vst.idx.msk $0xffff, v0  }
0x96: {  	[tilespmem:s19], [sflag:$0x4] =	stream.strided.gather [hbm4b:s30+s14], $0x100, s18, s14, $0x38;
	[tilespmem:$0xFD00] =	vst v63  }
0x97: {  	_ =	swait.ge [sflag:s17], $0x100  }
0x98: {  	[sflag:s17] =	ssyncset.done $0x0  }
0x99: {  	[sflag:s17] =	ssyncadd.s32 $0xFFFFFF00  }
0x9a: {  	v17 =	vld [tilespmem:$0xFA00];
	_ =	sdelay $0x4  }
0x9b: {  	[tilespmem:v1+s4+$0x0] =	vst.idx.add.f32.msk $0xffff, v17  }
0x9c: {  	v17 =	vld [tilespmem:$0xFA10];
	_ =	sdelay $0x4  }
0x9d: {  	[tilespmem:v2+s4+$0x0] =	vst.idx.add.f32.msk $0xffff, v17  }
0x9e: {  	v17 =	vld [tilespmem:$0xFA20];
	_ =	sdelay $0x4  }
0x9f: {  	[tilespmem:v3+s4+$0x0] =	vst.idx.add.f32.msk $0xffff, v17  }
0xa0: {  	v17 =	vld [tilespmem:$0xFA30];
	_ =	sdelay $0x4  }
0xa1: {  	[tilespmem:v4+s4+$0x0] =	vst.idx.add.f32.msk $0xffff, v17  }
0xa2: {  	v17 =	vld [tilespmem:$0xFA40];
	_ =	sdelay $0x4  }
0xa3: {  	[tilespmem:v5+s4+$0x0] =	vst.idx.add.f32.msk $0xffff, v17  }
0xa4: {  	v17 =	vld [tilespmem:$0xFA50];
	_ =	sdelay $0x4  }
0xa5: {  	[tilespmem:v6+s4+$0x0] =	vst.idx.add.f32.msk $0xffff, v17  }
0xa6: {  	v17 =	vld [tilespmem:$0xFA60];
	_ =	sdelay $0x4  }
0xa7: {  	[tilespmem:v7+s4+$0x0] =	vst.idx.add.f32.msk $0xffff, v17  }
0xa8: {  	v17 =	vld [tilespmem:$0xFA70];
	_ =	sdelay $0x4  }
0xa9: {  	[tilespmem:v8+s4+$0x0] =	vst.idx.add.f32.msk $0xffff, v17  }
0xaa: {  	v17 =	vld [tilespmem:$0xFA80];
	_ =	sdelay $0x4  }
0xab: {  	[tilespmem:v9+s4+$0x0] =	vst.idx.add.f32.msk $0xffff, v17  }
0xac: {  	v17 =	vld [tilespmem:$0xFA90];
	_ =	sdelay $0x4  }
0xad: {  	[tilespmem:v10+s4+$0x0] =	vst.idx.add.f32.msk $0xffff, v17  }
0xae: {  	v17 =	vld [tilespmem:$0xFAA0];
	_ =	sdelay $0x4  }
0xaf: {  	[tilespmem:v11+s4+$0x0] =	vst.idx.add.f32.msk $0xffff, v17  }
0xb0: {  	v17 =	vld [tilespmem:$0xFAB0];
	_ =	sdelay $0x4  }
0xb1: {  	[tilespmem:v12+s4+$0x0] =	vst.idx.add.f32.msk $0xffff, v17  }
0xb2: {  	v17 =	vld [tilespmem:$0xFAC0];
	_ =	sdelay $0x4  }
0xb3: {  	[tilespmem:v13+s4+$0x0] =	vst.idx.add.f32.msk $0xffff, v17  }
0xb4: {  	v17 =	vld [tilespmem:$0xFAD0];
	_ =	sdelay $0x4  }
0xb5: {  	[tilespmem:v14+s4+$0x0] =	vst.idx.add.f32.msk $0xffff, v17  }
0xb6: {  	v17 =	vld [tilespmem:$0xFAE0];
	_ =	sdelay $0x4  }
0xb7: {  	[tilespmem:v15+s4+$0x0] =	vst.idx.add.f32.msk $0xffff, v17  }
0xb8: {  	s29 =	smul.u32 $0x3E800, s29;
	v17 =	vld [tilespmem:$0xFAF0];
	_ =	sdelay $0x1  }
0xb9: {  	s29 =	sadd.s32 s5, s29  }
0xba: {  	s31 =	sor.u32 s26, s29  }
0xbb: {  	s30 =	sshrl.u32 s31, $0x3  }
0xbc: {  	s30 =	sadd.s32 s3, s30;
	[tilespmem:v16+s4+$0x0] =	vst.idx.add.f32.msk $0xffff, v17  }
0xbd: {  	[hbm4b:s30+s14] =	stream.strided.scatter [tilespmem:s4], [sflag:$0x1], $0x7D00, s18, s14, $0x38;
	[tilespmem:$0xFD00] =	vst v63  }
0xbe: {  	_ =	swait.ge [sflag:s24], $0x7D00  }
0xbf: {  	[sflag:s24] =	ssyncset.done $0x0  }
0xc0: {  	[sflag:s24] =	ssyncadd.s32 $0xFFFF8300  }
0xc1: {  	[tilespmem:v1+s22+$0x0] =	vst.idx.msk $0xffff, v0  }
0xc2: {  	[tilespmem:v2+s22+$0x0] =	vst.idx.msk $0xffff, v0  }
0xc3: {  	[tilespmem:v3+s22+$0x0] =	vst.idx.msk $0xffff, v0  }
0xc4: {  	[tilespmem:v4+s22+$0x0] =	vst.idx.msk $0xffff, v0  }
0xc5: {  	[tilespmem:v5+s22+$0x0] =	vst.idx.msk $0xffff, v0  }
0xc6: {  	[tilespmem:v6+s22+$0x0] =	vst.idx.msk $0xffff, v0  }
0xc7: {  	[tilespmem:v7+s22+$0x0] =	vst.idx.msk $0xffff, v0  }
0xc8: {  	[tilespmem:v8+s22+$0x0] =	vst.idx.msk $0xffff, v0  }
0xc9: {  	[tilespmem:v9+s22+$0x0] =	vst.idx.msk $0xffff, v0  }
0xca: {  	[tilespmem:v10+s22+$0x0] =	vst.idx.msk $0xffff, v0  }
0xcb: {  	[tilespmem:v11+s22+$0x0] =	vst.idx.msk $0xffff, v0  }
0xcc: {  	[tilespmem:v12+s22+$0x0] =	vst.idx.msk $0xffff, v0  }
0xcd: {  	s26 =	sor.u32 $0x80, s26;
	[tilespmem:v13+s22+$0x0] =	vst.idx.msk $0xffff, v0  }
0xce: {  	s28 =	sor.u32 s26, s28;
	[tilespmem:v14+s22+$0x0] =	vst.idx.msk $0xffff, v0  }
0xcf: {  	s28 =	sshrl.u32 s28, $0x3;
	[tilespmem:v15+s22+$0x0] =	vst.idx.msk $0xffff, v0  }
0xd0: {  	s28 =	sadd.s32 s1, s28;
	[tilespmem:v16+s22+$0x0] =	vst.idx.msk $0xffff, v0  }
0xd1: {  	[tilespmem:s21], [sflag:$0x4] =	stream.strided.gather [hbm4b:s28+s14], $0x100, s18, s14, $0x38;
	[tilespmem:$0xFD00] =	vst v63  }
0xd2: {  	_ =	swait.ge [sflag:s17], $0x100  }
0xd3: {  	[sflag:s17] =	ssyncset.done $0x0  }
0xd4: {  	[sflag:s17] =	ssyncadd.s32 $0xFFFFFF00  }
0xd5: {  	v17 =	vld [tilespmem:$0xFB00];
	_ =	sdelay $0x4  }
0xd6: {  	[tilespmem:v1+s22+$0x0] =	vst.idx.add.f32.msk $0xffff, v17  }
0xd7: {  	v17 =	vld [tilespmem:$0xFB10];
	_ =	sdelay $0x4  }
0xd8: {  	[tilespmem:v2+s22+$0x0] =	vst.idx.add.f32.msk $0xffff, v17  }
0xd9: {  	v17 =	vld [tilespmem:$0xFB20];
	_ =	sdelay $0x4  }
0xda: {  	[tilespmem:v3+s22+$0x0] =	vst.idx.add.f32.msk $0xffff, v17  }
0xdb: {  	v17 =	vld [tilespmem:$0xFB30];
	_ =	sdelay $0x4  }
0xdc: {  	[tilespmem:v4+s22+$0x0] =	vst.idx.add.f32.msk $0xffff, v17  }
0xdd: {  	v17 =	vld [tilespmem:$0xFB40];
	_ =	sdelay $0x4  }
0xde: {  	[tilespmem:v5+s22+$0x0] =	vst.idx.add.f32.msk $0xffff, v17  }
0xdf: {  	v17 =	vld [tilespmem:$0xFB50];
	_ =	sdelay $0x4  }
0xe0: {  	[tilespmem:v6+s22+$0x0] =	vst.idx.add.f32.msk $0xffff, v17  }
0xe1: {  	v17 =	vld [tilespmem:$0xFB60];
	_ =	sdelay $0x4  }
0xe2: {  	[tilespmem:v7+s22+$0x0] =	vst.idx.add.f32.msk $0xffff, v17  }
0xe3: {  	v17 =	vld [tilespmem:$0xFB70];
	_ =	sdelay $0x4  }
0xe4: {  	[tilespmem:v8+s22+$0x0] =	vst.idx.add.f32.msk $0xffff, v17  }
0xe5: {  	v17 =	vld [tilespmem:$0xFB80];
	_ =	sdelay $0x4  }
0xe6: {  	[tilespmem:v9+s22+$0x0] =	vst.idx.add.f32.msk $0xffff, v17  }
0xe7: {  	v17 =	vld [tilespmem:$0xFB90];
	_ =	sdelay $0x4  }
0xe8: {  	[tilespmem:v10+s22+$0x0] =	vst.idx.add.f32.msk $0xffff, v17  }
0xe9: {  	v17 =	vld [tilespmem:$0xFBA0];
	_ =	sdelay $0x4  }
0xea: {  	[tilespmem:v11+s22+$0x0] =	vst.idx.add.f32.msk $0xffff, v17  }
0xeb: {  	v17 =	vld [tilespmem:$0xFBB0];
	_ =	sdelay $0x4  }
0xec: {  	[tilespmem:v12+s22+$0x0] =	vst.idx.add.f32.msk $0xffff, v17  }
0xed: {  	v17 =	vld [tilespmem:$0xFBC0];
	_ =	sdelay $0x4  }
0xee: {  	[tilespmem:v13+s22+$0x0] =	vst.idx.add.f32.msk $0xffff, v17  }
0xef: {  	v17 =	vld [tilespmem:$0xFBD0];
	_ =	sdelay $0x4  }
0xf0: {  	[tilespmem:v14+s22+$0x0] =	vst.idx.add.f32.msk $0xffff, v17  }
0xf1: {  	v17 =	vld [tilespmem:$0xFBE0];
	_ =	sdelay $0x4  }
0xf2: {  	[tilespmem:v15+s22+$0x0] =	vst.idx.add.f32.msk $0xffff, v17  }
0xf3: {  	v17 =	vld [tilespmem:$0xFBF0];
	_ =	sdelay $0x2  }
0xf4: {  	s26 =	sor.u32 s26, s29  }
0xf5: {  	s28 =	sshrl.u32 s26, $0x3  }
0xf6: {  	s26 =	simm.s32 $0x200;
	s29 =	sadd.s32 s3, s28;
	s28 =	sadd.s32 $0x2, s13;
	[tilespmem:v16+s22+$0x0] =	vst.idx.add.f32.msk $0xffff, v17  }
.LBB2_6:
0xf7: {  	[hbm4b:s29+s14] =	stream.strided.scatter [tilespmem:s22], [sflag:$0x2], $0x7D00, s18, s14, $0x38;
	[tilespmem:$0xFD00] =	vst v63  }
0xf8: {  	s29 =	smov.u32 s26  }
0xf9: {  	p0 =	sne.s32 s26, $0x700;
	s26 =	sadd.s32 $0x100, s26;
	_ =	swait.ge [sflag:s23], $0x7D00  }
0xfa: {  	[sflag:s23] =	ssyncset.done $0x0  }
0xfb: {  	[sflag:s23] =	ssyncadd.s32 $0xFFFF8300  }
0xfc: {  	[tilespmem:v1+s4+$0x0] =	vst.idx.msk $0xffff, v0  }
0xfd: {  	[tilespmem:v2+s4+$0x0] =	vst.idx.msk $0xffff, v0  }
0xfe: {  	[tilespmem:v3+s4+$0x0] =	vst.idx.msk $0xffff, v0  }
0xff: {  	[tilespmem:v4+s4+$0x0] =	vst.idx.msk $0xffff, v0  }
0x100: {  	[tilespmem:v5+s4+$0x0] =	vst.idx.msk $0xffff, v0  }
0x101: {  	[tilespmem:v6+s4+$0x0] =	vst.idx.msk $0xffff, v0  }
0x102: {  	[tilespmem:v7+s4+$0x0] =	vst.idx.msk $0xffff, v0  }
0x103: {  	[tilespmem:v8+s4+$0x0] =	vst.idx.msk $0xffff, v0  }
0x104: {  	[tilespmem:v9+s4+$0x0] =	vst.idx.msk $0xffff, v0  }
0x105: {  	[tilespmem:v10+s4+$0x0] =	vst.idx.msk $0xffff, v0  }
0x106: {  	s30 =	sshrl.u32 s28, $0x3;
	[tilespmem:v11+s4+$0x0] =	vst.idx.msk $0xffff, v0  }
0x107: {  	s31 =	smul.u32 $0x3E800, s30;
	s30 =	sshll.u32 s30, $0xB;
	[tilespmem:v12+s4+$0x0] =	vst.idx.msk $0xffff, v0  }
0x108: {  	s29 =	sand.u32 $0x300, s29;
	s30 =	sadd.s32 s6, s30;
	[tilespmem:v13+s4+$0x0] =	vst.idx.msk $0xffff, v0  }
0x109: {  	s2 =	sor.u32 $0x80, s29;
	s0 =	sadd.s32 s5, s31;
	s31 =	sor.u32 s29, s30;
	[tilespmem:v14+s4+$0x0] =	vst.idx.msk $0xffff, v0  }
0x10a: {  	s30 =	sor.u32 s2, s30;
	s29 =	sor.u32 s29, s0;
	s15 =	sshrl.u32 s31, $0x3;
	[tilespmem:v15+s4+$0x0] =	vst.idx.msk $0xffff, v0  }
0x10b: {  	s30 =	sshrl.u32 s30, $0x3;
	s31 =	sshrl.u32 s29, $0x3;
	s15 =	sadd.s32 s1, s15;
	[tilespmem:v16+s4+$0x0] =	vst.idx.msk $0xffff, v0  }
0x10c: {  	[tilespmem:s19], [sflag:$0x4] =	stream.strided.gather [hbm4b:s15+s14], $0x100, s18, s14, $0x38;
	[tilespmem:$0xFD00] =	vst v63  }
0x10d: {  	s0 =	sor.u32 s2, s0;
	_ =	swait.ge [sflag:s17], $0x100  }
0x10e: {  	s29 =	sshrl.u32 s0, $0x3;
	[sflag:s17] =	ssyncset.done $0x0  }
0x10f: {  	[sflag:s17] =	ssyncadd.s32 $0xFFFFFF00  }
0x110: {  	v17 =	vld [tilespmem:$0xFA00];
	_ =	sdelay $0x4  }
0x111: {  	[tilespmem:v1+s4+$0x0] =	vst.idx.add.f32.msk $0xffff, v17  }
0x112: {  	v17 =	vld [tilespmem:$0xFA10];
	_ =	sdelay $0x4  }
0x113: {  	[tilespmem:v2+s4+$0x0] =	vst.idx.add.f32.msk $0xffff, v17  }
0x114: {  	v17 =	vld [tilespmem:$0xFA20];
	_ =	sdelay $0x4  }
0x115: {  	[tilespmem:v3+s4+$0x0] =	vst.idx.add.f32.msk $0xffff, v17  }
0x116: {  	v17 =	vld [tilespmem:$0xFA30];
	_ =	sdelay $0x4  }
0x117: {  	[tilespmem:v4+s4+$0x0] =	vst.idx.add.f32.msk $0xffff, v17  }
0x118: {  	v17 =	vld [tilespmem:$0xFA40];
	_ =	sdelay $0x4  }
0x119: {  	[tilespmem:v5+s4+$0x0] =	vst.idx.add.f32.msk $0xffff, v17  }
0x11a: {  	v17 =	vld [tilespmem:$0xFA50];
	_ =	sdelay $0x4  }
0x11b: {  	[tilespmem:v6+s4+$0x0] =	vst.idx.add.f32.msk $0xffff, v17  }
0x11c: {  	v17 =	vld [tilespmem:$0xFA60];
	_ =	sdelay $0x4  }
0x11d: {  	[tilespmem:v7+s4+$0x0] =	vst.idx.add.f32.msk $0xffff, v17  }
0x11e: {  	v17 =	vld [tilespmem:$0xFA70];
	_ =	sdelay $0x4  }
0x11f: {  	[tilespmem:v8+s4+$0x0] =	vst.idx.add.f32.msk $0xffff, v17  }
0x120: {  	v17 =	vld [tilespmem:$0xFA80];
	_ =	sdelay $0x4  }
0x121: {  	[tilespmem:v9+s4+$0x0] =	vst.idx.add.f32.msk $0xffff, v17  }
0x122: {  	v17 =	vld [tilespmem:$0xFA90];
	_ =	sdelay $0x4  }
0x123: {  	[tilespmem:v10+s4+$0x0] =	vst.idx.add.f32.msk $0xffff, v17  }
0x124: {  	v17 =	vld [tilespmem:$0xFAA0];
	_ =	sdelay $0x4  }
0x125: {  	[tilespmem:v11+s4+$0x0] =	vst.idx.add.f32.msk $0xffff, v17  }
0x126: {  	v17 =	vld [tilespmem:$0xFAB0];
	_ =	sdelay $0x4  }
0x127: {  	[tilespmem:v12+s4+$0x0] =	vst.idx.add.f32.msk $0xffff, v17  }
0x128: {  	v17 =	vld [tilespmem:$0xFAC0];
	_ =	sdelay $0x4  }
0x129: {  	[tilespmem:v13+s4+$0x0] =	vst.idx.add.f32.msk $0xffff, v17  }
0x12a: {  	v17 =	vld [tilespmem:$0xFAD0];
	_ =	sdelay $0x4  }
0x12b: {  	[tilespmem:v14+s4+$0x0] =	vst.idx.add.f32.msk $0xffff, v17  }
0x12c: {  	v17 =	vld [tilespmem:$0xFAE0];
	_ =	sdelay $0x4  }
0x12d: {  	[tilespmem:v15+s4+$0x0] =	vst.idx.add.f32.msk $0xffff, v17  }
0x12e: {  	v17 =	vld [tilespmem:$0xFAF0];
	_ =	sdelay $0x4  }
0x12f: {  	s0 =	sadd.s32 s3, s31;
	[tilespmem:v16+s4+$0x0] =	vst.idx.add.f32.msk $0xffff, v17  }
0x130: {  	[hbm4b:s0+s14] =	stream.strided.scatter [tilespmem:s4], [sflag:$0x1], $0x7D00, s18, s14, $0x38;
	[tilespmem:$0xFD00] =	vst v63  }
0x131: {  	_ =	swait.ge [sflag:s24], $0x7D00  }
0x132: {  	[sflag:s24] =	ssyncset.done $0x0  }
0x133: {  	[sflag:s24] =	ssyncadd.s32 $0xFFFF8300  }
0x134: {  	[tilespmem:v1+s22+$0x0] =	vst.idx.msk $0xffff, v0  }
0x135: {  	[tilespmem:v2+s22+$0x0] =	vst.idx.msk $0xffff, v0  }
0x136: {  	[tilespmem:v3+s22+$0x0] =	vst.idx.msk $0xffff, v0  }
0x137: {  	[tilespmem:v4+s22+$0x0] =	vst.idx.msk $0xffff, v0  }
0x138: {  	[tilespmem:v5+s22+$0x0] =	vst.idx.msk $0xffff, v0  }
0x139: {  	[tilespmem:v6+s22+$0x0] =	vst.idx.msk $0xffff, v0  }
0x13a: {  	[tilespmem:v7+s22+$0x0] =	vst.idx.msk $0xffff, v0  }
0x13b: {  	[tilespmem:v8+s22+$0x0] =	vst.idx.msk $0xffff, v0  }
0x13c: {  	[tilespmem:v9+s22+$0x0] =	vst.idx.msk $0xffff, v0  }
0x13d: {  	[tilespmem:v10+s22+$0x0] =	vst.idx.msk $0xffff, v0  }
0x13e: {  	[tilespmem:v11+s22+$0x0] =	vst.idx.msk $0xffff, v0  }
0x13f: {  	[tilespmem:v12+s22+$0x0] =	vst.idx.msk $0xffff, v0  }
0x140: {  	[tilespmem:v13+s22+$0x0] =	vst.idx.msk $0xffff, v0  }
0x141: {  	[tilespmem:v14+s22+$0x0] =	vst.idx.msk $0xffff, v0  }
0x142: {  	[tilespmem:v15+s22+$0x0] =	vst.idx.msk $0xffff, v0  }
0x143: {  	s0 =	sadd.s32 s1, s30;
	[tilespmem:v16+s22+$0x0] =	vst.idx.msk $0xffff, v0  }
0x144: {  	[tilespmem:s21], [sflag:$0x4] =	stream.strided.gather [hbm4b:s0+s14], $0x100, s18, s14, $0x38;
	[tilespmem:$0xFD00] =	vst v63  }
0x145: {  	_ =	swait.ge [sflag:s17], $0x100  }
0x146: {  	[sflag:s17] =	ssyncset.done $0x0  }
0x147: {  	[sflag:s17] =	ssyncadd.s32 $0xFFFFFF00  }
0x148: {  	v17 =	vld [tilespmem:$0xFB00];
	_ =	sdelay $0x4  }
0x149: {  	[tilespmem:v1+s22+$0x0] =	vst.idx.add.f32.msk $0xffff, v17  }
0x14a: {  	v17 =	vld [tilespmem:$0xFB10];
	_ =	sdelay $0x4  }
0x14b: {  	[tilespmem:v2+s22+$0x0] =	vst.idx.add.f32.msk $0xffff, v17  }
0x14c: {  	v17 =	vld [tilespmem:$0xFB20];
	_ =	sdelay $0x4  }
0x14d: {  	[tilespmem:v3+s22+$0x0] =	vst.idx.add.f32.msk $0xffff, v17  }
0x14e: {  	v17 =	vld [tilespmem:$0xFB30];
	_ =	sdelay $0x4  }
0x14f: {  	[tilespmem:v4+s22+$0x0] =	vst.idx.add.f32.msk $0xffff, v17  }
0x150: {  	v17 =	vld [tilespmem:$0xFB40];
	_ =	sdelay $0x4  }
0x151: {  	[tilespmem:v5+s22+$0x0] =	vst.idx.add.f32.msk $0xffff, v17  }
0x152: {  	v17 =	vld [tilespmem:$0xFB50];
	_ =	sdelay $0x4  }
0x153: {  	[tilespmem:v6+s22+$0x0] =	vst.idx.add.f32.msk $0xffff, v17  }
0x154: {  	v17 =	vld [tilespmem:$0xFB60];
	_ =	sdelay $0x4  }
0x155: {  	[tilespmem:v7+s22+$0x0] =	vst.idx.add.f32.msk $0xffff, v17  }
0x156: {  	v17 =	vld [tilespmem:$0xFB70];
	_ =	sdelay $0x4  }
0x157: {  	[tilespmem:v8+s22+$0x0] =	vst.idx.add.f32.msk $0xffff, v17  }
0x158: {  	v17 =	vld [tilespmem:$0xFB80];
	_ =	sdelay $0x4  }
0x159: {  	[tilespmem:v9+s22+$0x0] =	vst.idx.add.f32.msk $0xffff, v17  }
0x15a: {  	v17 =	vld [tilespmem:$0xFB90];
	_ =	sdelay $0x4  }
0x15b: {  	[tilespmem:v10+s22+$0x0] =	vst.idx.add.f32.msk $0xffff, v17  }
0x15c: {  	v17 =	vld [tilespmem:$0xFBA0];
	_ =	sdelay $0x4  }
0x15d: {  	[tilespmem:v11+s22+$0x0] =	vst.idx.add.f32.msk $0xffff, v17  }
0x15e: {  	v17 =	vld [tilespmem:$0xFBB0];
	_ =	sdelay $0x4  }
0x15f: {  	[tilespmem:v12+s22+$0x0] =	vst.idx.add.f32.msk $0xffff, v17  }
0x160: {  	v17 =	vld [tilespmem:$0xFBC0];
	_ =	sdelay $0x4  }
0x161: {  	[tilespmem:v13+s22+$0x0] =	vst.idx.add.f32.msk $0xffff, v17  }
0x162: {  	v17 =	vld [tilespmem:$0xFBD0];
	_ =	sdelay $0x4  }
0x163: {  	[tilespmem:v14+s22+$0x0] =	vst.idx.add.f32.msk $0xffff, v17  }
0x164: {  	v17 =	vld [tilespmem:$0xFBE0];
	_ =	sdelay $0x4  }
0x165: {  	[tilespmem:v15+s22+$0x0] =	vst.idx.add.f32.msk $0xffff, v17  }
0x166: {  	v17 =	vld [tilespmem:$0xFBF0]  }
.Ltmp2:
0x167: {  	(pc) =	sbr.rel @p0 .LBB2_6-.Ltmp2, $2  }
0x168: {  	_ =	sdelay $0x2  }
0x169: {  	s28 =	sadd.s32 $0x2, s28;
	s29 =	sadd.s32 s3, s29;
	[tilespmem:v16+s22+$0x0] =	vst.idx.add.f32.msk $0xffff, v17  }
0x16a: {  	[hbm4b:s29+s14] =	stream.strided.scatter [tilespmem:s22], [sflag:$0x2], $0x7D00, s18, s14, $0x38;
	[tilespmem:$0xFD00] =	vst v63  }
0x16b: {  	s25 =	sadd.s32 $0x1, s25  }
0x16c: {  	_ =	swait.ge [sflag:s23], $0x7D00;
	p0 =	sne.s32 s25, s12  }
.Ltmp3:
0x16d: {  	[sflag:s23] =	ssyncset.done $0x0;
	(pc) =	sbr.rel @p0 .LBB2_1-.Ltmp3, $4  }
0x16e: {  	[sflag:s23] =	ssyncadd.s32 $0xFFFF8300  }
0x16f: {  	_ =	swait.ge [sflag:s24], $0x7D00  }
0x170: {  	[sflag:s24] =	ssyncset.done $0x0  }
0x171: {  	[sflag:s24] =	ssyncadd.s32 $0xFFFF8300  }
0x172: {  	_ =	sfence.sel $0x180000  }
0x173: {  	[bflag:$0x0] =	sbarrier.arrive $0xFFFF  }
0x174: {  	_ =	strace $0x90000047  }
0x175: {  	s0 =	stileid.u32;
	[bflag:$0x2] =	sbarrier.arrive $0xFFFF  }
0x176: {  	p0 =	sne.s32 s0, $0x0;
	s0 =	rddreg [dreg:$0x3]  }
0x177: {  	s0 =	sadd.s32 @!p0 $0x100000, s0  }
0x178: {  	[sflag:s0] =	ssyncadd.tile.s32 @!p0 $0x1;
	_ =	shalt  }
.Lfunc_end2:
_tile_overlayer_lowered:
.L_overlay_start_2:
0x179: {  	(tag) =	ssettag $0x2  }
0x17a: {  	s0 =	rddreg [dreg:$0x0];
	s2 =	stileid.u32  }
0x17b: {  	s1 =	rddreg [dreg:$0x1];
	p0 =	sne.s32 s2, $0x0  }
0x17c: {  	s3 =	rddreg [dreg:$0x2];
	[bflag:$0x3] =	sbarrier.arrive $0xFFFF;
	s2 =	simm.s32 @!p0 $0x1C04  }
0x17d: {  	[timem:s3], [sflag:s2] =	dma.local @!p0 [hbm:s0], s1  }
0x17e: {  	s0 =	simm.s32 @!p0 $0x4  }
0x17f: {  	_ =	swait.ge @!p0 [sflag:s0], s1  }
0x180: {  	s1 =	ssub.s32 @!p0 $0x0, s1;
	[sflag:s0] =	ssyncset.done @!p0 $0x0  }
0x181: {  	[sflag:s0] =	ssyncadd.s32 @!p0 s1  }
0x182: {  	[bflag:$0x3] =	sbarrier.arrive $0xFFFF  }
0x183: {  	_ =	shalt  }

</sc_bundles>
